<compile_context>
chip_gen: v7x
topology: tpu7x:2x2x1
jax: 0.10.2.dev20260603
libtpu: 0.0.44.dev20260713+nightly
codegen_flags: <defaults>
</compile_context>

<pallas_src>
import functools

import jax
import jax.numpy as jnp
from jax import lax
from jax.experimental import pallas as pl
from jax.experimental.pallas import tpu as pltpu
from jax.experimental.pallas import tpu_sc as plsc

D = 128
CH = 200
NBUF = 2
SUP = NBUF * CH
SCH = 128


@functools.lru_cache(maxsize=None)
def _make_gather(n_rows: int, n_tab: int):
    info = plsc.get_sparse_core_info()
    nc, ns = info.num_cores, info.num_subcores
    nw = nc * ns
    assert n_rows % (nw * SUP) == 0
    per_w = n_rows // nw
    n_super = per_w // SUP
    assert n_tab % (ns * SCH) == 0
    tab_per_s = n_tab // ns

    mesh = plsc.VectorSubcoreMesh(core_axis_name="c", subcore_axis_name="s")

    @functools.partial(
        pl.kernel,
        out_type=jax.ShapeDtypeStruct((n_rows, D), jnp.float32),
        mesh=mesh,
        scratch_types=[
            pltpu.VMEM((2 * SUP,), jnp.int32),
            pltpu.VMEM((NBUF, CH, D), jnp.float32),
            pltpu.VMEM_SHARED((n_tab, D), jnp.float32),
            pltpu.SemaphoreType.DMA((NBUF,)),
            pltpu.SemaphoreType.DMA((NBUF,)),
        ],
    )
    def k(tab_hbm, idx_hbm, out_hbm, idx_v, rows, stab, gsem, ssem):
        wid = lax.axis_index("s") * nc + lax.axis_index("c")
        sid = lax.axis_index("s")
        base = wid * per_w

        for j in range(tab_per_s // SCH):
            off = sid * tab_per_s + j * SCH
            pltpu.sync_copy(tab_hbm.at[pl.ds(off, SCH)], rows.at[0, pl.ds(0, SCH)])
            pltpu.sync_copy(rows.at[0, pl.ds(0, SCH)], stab.at[pl.ds(off, SCH)])
        pltpu.sync_copy(idx_hbm.at[pl.ds(base, SUP)], idx_v.at[pl.ds(0, SUP)])
        plsc.subcore_barrier()

        for b in range(NBUF):
            pltpu.async_copy(
                stab.at[idx_v.at[pl.ds(b * CH, CH)]], rows.at[b], gsem.at[b]
            )

        def sup(s, carry):
            nxt = ((s + 1) % 2) * SUP
            pltpu.sync_copy(
                idx_hbm.at[pl.ds(base + (s + 1) * SUP, SUP)],
                idx_v.at[pl.ds(nxt, SUP)],
            )
            for b in range(NBUF):
                pltpu.make_async_copy(
                    stab.at[pl.ds(0, CH)], rows.at[b], gsem.at[b]
                ).wait()
                pltpu.async_copy(
                    rows.at[b],
                    out_hbm.at[pl.ds(base + s * SUP + b * CH, CH)],
                    ssem.at[b],
                )
            for b in range(NBUF):
                pltpu.make_async_copy(
                    rows.at[b], out_hbm.at[pl.ds(0, CH)], ssem.at[b]
                ).wait()
                pltpu.async_copy(
                    stab.at[idx_v.at[pl.ds(nxt + b * CH, CH)]],
                    rows.at[b],
                    gsem.at[b],
                )
            return carry

        lax.fori_loop(0, n_super - 1, sup, 0)

        last = base + (n_super - 1) * SUP
        for b in range(NBUF):
            pltpu.make_async_copy(
                stab.at[pl.ds(0, CH)], rows.at[b], gsem.at[b]
            ).wait()
            pltpu.async_copy(
                rows.at[b], out_hbm.at[pl.ds(last + b * CH, CH)], ssem.at[b]
            )
        for b in range(NBUF):
            pltpu.make_async_copy(
                rows.at[b], out_hbm.at[pl.ds(0, CH)], ssem.at[b]
            ).wait()

    return k


def kernel(indices, pe):
    b, kk = indices.shape
    table = pe[0]
    idx = indices.reshape(-1).astype(jnp.int32)
    out = _make_gather(b * kk, table.shape[0])(table, idx)
    return out.reshape(b, kk, D)

# --- scband reference (transcript-rebuilt; emitter-appended) ---
"""Pipeline reference for scband-sinusoidal-pe-25280177504754 (READ-ONLY COPY).

The authoritative reference and input builder live on the scoring server;
editing this copy changes nothing except your own understanding.
"""

import math
import jax, jax.numpy as jnp
import numpy as np

EMBED_DIM = 128
MAX_LEN = 8192
B = 4096
K = 200

def _build_pe(max_len, embed_dim):
    pe = np.zeros((max_len, embed_dim), dtype=np.float32)
    pos = np.arange(0, max_len, dtype=np.float32)[:, None]
    div = np.exp(np.arange(0, embed_dim, 2, dtype=np.float32) * (-math.log(10000.0) / embed_dim))
    pe[:, 0::2] = np.sin(pos * div)
    pe[:, 1::2] = np.cos(pos * div)
    return jnp.asarray(pe)[None, :, :]  # (1, max_len, embed_dim)

def setup_inputs(seed: int = 0) -> dict:
    key = jax.random.key(seed)
    indices = jax.random.randint(key, (B, K), 0, MAX_LEN, dtype=jnp.int64 if jax.config.read('jax_enable_x64') else jnp.int32)
    pe = _build_pe(MAX_LEN, EMBED_DIM)
    return {"indices": indices, "pe": pe}

def reference(indices, pe):
    # torch.gather(pe.expand(B,-1,-1), dim=1, index=idx) == pe[0][indices]
    out = jnp.take(pe[0], indices, axis=0)  # (B, K, embed_dim)
    return out

if __name__ == "__main__":
    import jax
    _d = setup_inputs()
    print(jax.jit(kernel)(*tuple(_d.values())))

</pallas_src>

<mosaic_0001>
#map = affine_map<(d0, d1) -> (0, 0)>
#map1 = affine_map<(d0, d1) -> (0)>
module attributes {stable_mosaic.version = 14 : i64} {
  func.func @k(%arg0: i32, %arg1: i32, %arg2: memref<8192x128xf32, #tpu.memory_space<hbm>>, %arg3: memref<819200xi32, #tpu.memory_space<hbm>>, %arg4: memref<819200x128xf32, #tpu.memory_space<hbm>>, %arg5: memref<800xi32, #tpu.memory_space<vmem>>, %arg6: memref<2x200x128xf32, #tpu.memory_space<vmem>>, %arg7: memref<8192x128xf32, #tpu.memory_space<vmem_shared>>, %arg8: memref<2x!tpu.dma_semaphore, #tpu.memory_space<semaphore_mem>>, %arg9: memref<2x!tpu.dma_semaphore, #tpu.memory_space<semaphore_mem>>) attributes {dimension_semantics = [#tpu.dimension_semantics<core_parallel>, #tpu.dimension_semantics<subcore_parallel>], iteration_bounds = array<i64: 2, 16>, scalar_prefetch = 0 : i64, scratch_operands = 5 : i64, tpu.core_type = #tpu.core_type<sc_vector_subcore>, window_params = [{transform_indices = #map}, {transform_indices = #map1}, {transform_indices = #map}]} {
    %mul3A = arith.constant 2 : i32
    %mul3A_0 = arith.muli %arg1, %mul3A : i32
    %add3A = arith.addi %mul3A_0, %arg0 : i32
    %mul3A_1 = arith.constant 25600 : i32
    %mul3A_2 = arith.muli %add3A, %mul3A_1 : i32
    %mul3A_3 = arith.constant 512 : i32
    %mul3A_4 = arith.muli %arg1, %mul3A_3 : i32
    %add3A_5 = arith.constant 0 : i32
    %add3A_6 = arith.addi %mul3A_4, %add3A_5 : i32
    %run_scoped3A = arith.constant 0 : i32
    "tpu.region"() ({
      %run_scoped3A_165 = tpu.sem_alloc : memref<!tpu.dma_semaphore, #tpu.memory_space<semaphore_mem>>
      %dma_start3A_166 = arith.constant 0 : i32
      %dma_start3A_167 = arith.constant 0 : i32
      %dma_start3A_168 = tpu.memref_slice %arg6[%run_scoped3A, %dma_start3A_166, %dma_start3A_167] : memref<2x200x128xf32, #tpu.memory_space<vmem>> -> memref<1x128x128xf32, #tpu.memory_space<vmem>>
      %dma_start3A_169 = tpu.memref_squeeze %dma_start3A_168 : memref<1x128x128xf32, #tpu.memory_space<vmem>> -> memref<128x128xf32, #tpu.memory_space<vmem>>
      %dma_start3A_170 = arith.constant 0 : i32
      %dma_start3A_171 = tpu.memref_slice %arg2[%add3A_6, %dma_start3A_170] : memref<8192x128xf32, #tpu.memory_space<hbm>> -> memref<128x128xf32, #tpu.memory_space<hbm>>
      %dma_start3A_172 = arith.constant 0 : i32
      %dma_start3A_173 = arith.constant 0 : i32
      %dma_start3A_174 = tpu.memref_slice %arg6[%run_scoped3A, %dma_start3A_172, %dma_start3A_173] : memref<2x200x128xf32, #tpu.memory_space<vmem>> -> memref<1x128x128xf32, #tpu.memory_space<vmem>>
      %dma_start3A_175 = tpu.memref_squeeze %dma_start3A_174 : memref<1x128x128xf32, #tpu.memory_space<vmem>> -> memref<128x128xf32, #tpu.memory_space<vmem>>
      %dma_start3A_176 = arith.constant 0 : i32
      %dma_start3A_177 = tpu.memref_slice %arg2[%add3A_6, %dma_start3A_176] : memref<8192x128xf32, #tpu.memory_space<hbm>> -> memref<128x128xf32, #tpu.memory_space<hbm>>
      tpu.enqueue_dma source(%dma_start3A_177 : memref<128x128xf32, #tpu.memory_space<hbm>>) target(%dma_start3A_175 : memref<128x128xf32, #tpu.memory_space<vmem>>) target_semaphore(%run_scoped3A_165 : memref<!tpu.dma_semaphore, #tpu.memory_space<semaphore_mem>>)
      %dma_wait3A_178 = arith.constant 0 : i32
      %dma_wait3A_179 = arith.constant 0 : i32
      %dma_wait3A_180 = tpu.memref_slice %arg6[%run_scoped3A, %dma_wait3A_178, %dma_wait3A_179] : memref<2x200x128xf32, #tpu.memory_space<vmem>> -> memref<1x128x128xf32, #tpu.memory_space<vmem>>
      %dma_wait3A_181 = tpu.memref_squeeze %dma_wait3A_180 : memref<1x128x128xf32, #tpu.memory_space<vmem>> -> memref<128x128xf32, #tpu.memory_space<vmem>>
      %dma_wait3A_182 = arith.constant 0 : i32
      %dma_wait3A_183 = tpu.memref_slice %arg2[%add3A_6, %dma_wait3A_182] : memref<8192x128xf32, #tpu.memory_space<hbm>> -> memref<128x128xf32, #tpu.memory_space<hbm>>
      %dma_wait3A_184 = arith.constant 0 : i32
      %dma_wait3A_185 = arith.constant 0 : i32
      %dma_wait3A_186 = tpu.memref_slice %arg6[%run_scoped3A, %dma_wait3A_184, %dma_wait3A_185] : memref<2x200x128xf32, #tpu.memory_space<vmem>> -> memref<1x128x128xf32, #tpu.memory_space<vmem>>
      %dma_wait3A_187 = tpu.memref_squeeze %dma_wait3A_186 : memref<1x128x128xf32, #tpu.memory_space<vmem>> -> memref<128x128xf32, #tpu.memory_space<vmem>>
      %dma_wait3A_188 = arith.constant 0 : i32
      %dma_wait3A_189 = tpu.memref_slice %arg2[%add3A_6, %dma_wait3A_188] : memref<8192x128xf32, #tpu.memory_space<hbm>> -> memref<128x128xf32, #tpu.memory_space<hbm>>
      tpu.wait_dma2 semaphore(%run_scoped3A_165 : memref<!tpu.dma_semaphore, #tpu.memory_space<semaphore_mem>>) src(%dma_wait3A_189 : memref<128x128xf32, #tpu.memory_space<hbm>>) dst(%dma_wait3A_187 : memref<128x128xf32, #tpu.memory_space<vmem>>)
      tpu.yield
    }) : () -> ()
    %run_scoped3A_7 = arith.constant 0 : i32
    "tpu.region"() ({
      %run_scoped3A_165 = tpu.sem_alloc : memref<!tpu.dma_semaphore, #tpu.memory_space<semaphore_mem>>
      %dma_start3A_166 = arith.constant 0 : i32
      %dma_start3A_167 = arith.constant 0 : i32
      %dma_start3A_168 = tpu.memref_slice %arg6[%run_scoped3A_7, %dma_start3A_166, %dma_start3A_167] : memref<2x200x128xf32, #tpu.memory_space<vmem>> -> memref<1x128x128xf32, #tpu.memory_space<vmem>>
      %dma_start3A_169 = tpu.memref_squeeze %dma_start3A_168 : memref<1x128x128xf32, #tpu.memory_space<vmem>> -> memref<128x128xf32, #tpu.memory_space<vmem>>
      %dma_start3A_170 = arith.constant 0 : i32
      %dma_start3A_171 = tpu.memref_slice %arg7[%add3A_6, %dma_start3A_170] : memref<8192x128xf32, #tpu.memory_space<vmem_shared>> -> memref<128x128xf32, #tpu.memory_space<vmem_shared>>
      %dma_start3A_172 = arith.constant 0 : i32
      %dma_start3A_173 = tpu.memref_slice %arg7[%add3A_6, %dma_start3A_172] : memref<8192x128xf32, #tpu.memory_space<vmem_shared>> -> memref<128x128xf32, #tpu.memory_space<vmem_shared>>
      %dma_start3A_174 = arith.constant 0 : i32
      %dma_start3A_175 = arith.constant 0 : i32
      %dma_start3A_176 = tpu.memref_slice %arg6[%run_scoped3A_7, %dma_start3A_174, %dma_start3A_175] : memref<2x200x128xf32, #tpu.memory_space<vmem>> -> memref<1x128x128xf32, #tpu.memory_space<vmem>>
      %dma_start3A_177 = tpu.memref_squeeze %dma_start3A_176 : memref<1x128x128xf32, #tpu.memory_space<vmem>> -> memref<128x128xf32, #tpu.memory_space<vmem>>
      tpu.enqueue_dma source(%dma_start3A_177 : memref<128x128xf32, #tpu.memory_space<vmem>>) target(%dma_start3A_173 : memref<128x128xf32, #tpu.memory_space<vmem_shared>>) target_semaphore(%run_scoped3A_165 : memref<!tpu.dma_semaphore, #tpu.memory_space<semaphore_mem>>)
      %dma_wait3A_178 = arith.constant 0 : i32
      %dma_wait3A_179 = arith.constant 0 : i32
      %dma_wait3A_180 = tpu.memref_slice %arg6[%run_scoped3A_7, %dma_wait3A_178, %dma_wait3A_179] : memref<2x200x128xf32, #tpu.memory_space<vmem>> -> memref<1x128x128xf32, #tpu.memory_space<vmem>>
      %dma_wait3A_181 = tpu.memref_squeeze %dma_wait3A_180 : memref<1x128x128xf32, #tpu.memory_space<vmem>> -> memref<128x128xf32, #tpu.memory_space<vmem>>
      %dma_wait3A_182 = arith.constant 0 : i32
      %dma_wait3A_183 = tpu.memref_slice %arg7[%add3A_6, %dma_wait3A_182] : memref<8192x128xf32, #tpu.memory_space<vmem_shared>> -> memref<128x128xf32, #tpu.memory_space<vmem_shared>>
      %dma_wait3A_184 = arith.constant 0 : i32
      %dma_wait3A_185 = tpu.memref_slice %arg7[%add3A_6, %dma_wait3A_184] : memref<8192x128xf32, #tpu.memory_space<vmem_shared>> -> memref<128x128xf32, #tpu.memory_space<vmem_shared>>
      %dma_wait3A_186 = arith.constant 0 : i32
      %dma_wait3A_187 = arith.constant 0 : i32
      %dma_wait3A_188 = tpu.memref_slice %arg6[%run_scoped3A_7, %dma_wait3A_186, %dma_wait3A_187] : memref<2x200x128xf32, #tpu.memory_space<vmem>> -> memref<1x128x128xf32, #tpu.memory_space<vmem>>
      %dma_wait3A_189 = tpu.memref_squeeze %dma_wait3A_188 : memref<1x128x128xf32, #tpu.memory_space<vmem>> -> memref<128x128xf32, #tpu.memory_space<vmem>>
      tpu.wait_dma2 semaphore(%run_scoped3A_165 : memref<!tpu.dma_semaphore, #tpu.memory_space<semaphore_mem>>) src(%dma_wait3A_189 : memref<128x128xf32, #tpu.memory_space<vmem>>) dst(%dma_wait3A_185 : memref<128x128xf32, #tpu.memory_space<vmem_shared>>)
      tpu.yield
    }) : () -> ()
    %mul3A_8 = arith.constant 512 : i32
    %mul3A_9 = arith.muli %arg1, %mul3A_8 : i32
    %add3A_10 = arith.constant 128 : i32
    %add3A_11 = arith.addi %mul3A_9, %add3A_10 : i32
    %run_scoped3A_12 = arith.constant 0 : i32
    "tpu.region"() ({
      %run_scoped3A_165 = tpu.sem_alloc : memref<!tpu.dma_semaphore, #tpu.memory_space<semaphore_mem>>
      %dma_start3A_166 = arith.constant 0 : i32
      %dma_start3A_167 = arith.constant 0 : i32
      %dma_start3A_168 = tpu.memref_slice %arg6[%run_scoped3A_12, %dma_start3A_166, %dma_start3A_167] : memref<2x200x128xf32, #tpu.memory_space<vmem>> -> memref<1x128x128xf32, #tpu.memory_space<vmem>>
      %dma_start3A_169 = tpu.memref_squeeze %dma_start3A_168 : memref<1x128x128xf32, #tpu.memory_space<vmem>> -> memref<128x128xf32, #tpu.memory_space<vmem>>
      %dma_start3A_170 = arith.constant 0 : i32
      %dma_start3A_171 = tpu.memref_slice %arg2[%add3A_11, %dma_start3A_170] : memref<8192x128xf32, #tpu.memory_space<hbm>> -> memref<128x128xf32, #tpu.memory_space<hbm>>
      %dma_start3A_172 = arith.constant 0 : i32
      %dma_start3A_173 = arith.constant 0 : i32
      %dma_start3A_174 = tpu.memref_slice %arg6[%run_scoped3A_12, %dma_start3A_172, %dma_start3A_173] : memref<2x200x128xf32, #tpu.memory_space<vmem>> -> memref<1x128x128xf32, #tpu.memory_space<vmem>>
      %dma_start3A_175 = tpu.memref_squeeze %dma_start3A_174 : memref<1x128x128xf32, #tpu.memory_space<vmem>> -> memref<128x128xf32, #tpu.memory_space<vmem>>
      %dma_start3A_176 = arith.constant 0 : i32
      %dma_start3A_177 = tpu.memref_slice %arg2[%add3A_11, %dma_start3A_176] : memref<8192x128xf32, #tpu.memory_space<hbm>> -> memref<128x128xf32, #tpu.memory_space<hbm>>
      tpu.enqueue_dma source(%dma_start3A_177 : memref<128x128xf32, #tpu.memory_space<hbm>>) target(%dma_start3A_175 : memref<128x128xf32, #tpu.memory_space<vmem>>) target_semaphore(%run_scoped3A_165 : memref<!tpu.dma_semaphore, #tpu.memory_space<semaphore_mem>>)
      %dma_wait3A_178 = arith.constant 0 : i32
      %dma_wait3A_179 = arith.constant 0 : i32
      %dma_wait3A_180 = tpu.memref_slice %arg6[%run_scoped3A_12, %dma_wait3A_178, %dma_wait3A_179] : memref<2x200x128xf32, #tpu.memory_space<vmem>> -> memref<1x128x128xf32, #tpu.memory_space<vmem>>
      %dma_wait3A_181 = tpu.memref_squeeze %dma_wait3A_180 : memref<1x128x128xf32, #tpu.memory_space<vmem>> -> memref<128x128xf32, #tpu.memory_space<vmem>>
      %dma_wait3A_182 = arith.constant 0 : i32
      %dma_wait3A_183 = tpu.memref_slice %arg2[%add3A_11, %dma_wait3A_182] : memref<8192x128xf32, #tpu.memory_space<hbm>> -> memref<128x128xf32, #tpu.memory_space<hbm>>
      %dma_wait3A_184 = arith.constant 0 : i32
      %dma_wait3A_185 = arith.constant 0 : i32
      %dma_wait3A_186 = tpu.memref_slice %arg6[%run_scoped3A_12, %dma_wait3A_184, %dma_wait3A_185] : memref<2x200x128xf32, #tpu.memory_space<vmem>> -> memref<1x128x128xf32, #tpu.memory_space<vmem>>
      %dma_wait3A_187 = tpu.memref_squeeze %dma_wait3A_186 : memref<1x128x128xf32, #tpu.memory_space<vmem>> -> memref<128x128xf32, #tpu.memory_space<vmem>>
      %dma_wait3A_188 = arith.constant 0 : i32
      %dma_wait3A_189 = tpu.memref_slice %arg2[%add3A_11, %dma_wait3A_188] : memref<8192x128xf32, #tpu.memory_space<hbm>> -> memref<128x128xf32, #tpu.memory_space<hbm>>
      tpu.wait_dma2 semaphore(%run_scoped3A_165 : memref<!tpu.dma_semaphore, #tpu.memory_space<semaphore_mem>>) src(%dma_wait3A_189 : memref<128x128xf32, #tpu.memory_space<hbm>>) dst(%dma_wait3A_187 : memref<128x128xf32, #tpu.memory_space<vmem>>)
      tpu.yield
    }) : () -> ()
    %run_scoped3A_13 = arith.constant 0 : i32
    "tpu.region"() ({
      %run_scoped3A_165 = tpu.sem_alloc : memref<!tpu.dma_semaphore, #tpu.memory_space<semaphore_mem>>
      %dma_start3A_166 = arith.constant 0 : i32
      %dma_start3A_167 = arith.constant 0 : i32
      %dma_start3A_168 = tpu.memref_slice %arg6[%run_scoped3A_13, %dma_start3A_166, %dma_start3A_167] : memref<2x200x128xf32, #tpu.memory_space<vmem>> -> memref<1x128x128xf32, #tpu.memory_space<vmem>>
      %dma_start3A_169 = tpu.memref_squeeze %dma_start3A_168 : memref<1x128x128xf32, #tpu.memory_space<vmem>> -> memref<128x128xf32, #tpu.memory_space<vmem>>
      %dma_start3A_170 = arith.constant 0 : i32
      %dma_start3A_171 = tpu.memref_slice %arg7[%add3A_11, %dma_start3A_170] : memref<8192x128xf32, #tpu.memory_space<vmem_shared>> -> memref<128x128xf32, #tpu.memory_space<vmem_shared>>
      %dma_start3A_172 = arith.constant 0 : i32
      %dma_start3A_173 = tpu.memref_slice %arg7[%add3A_11, %dma_start3A_172] : memref<8192x128xf32, #tpu.memory_space<vmem_shared>> -> memref<128x128xf32, #tpu.memory_space<vmem_shared>>
      %dma_start3A_174 = arith.constant 0 : i32
      %dma_start3A_175 = arith.constant 0 : i32
      %dma_start3A_176 = tpu.memref_slice %arg6[%run_scoped3A_13, %dma_start3A_174, %dma_start3A_175] : memref<2x200x128xf32, #tpu.memory_space<vmem>> -> memref<1x128x128xf32, #tpu.memory_space<vmem>>
      %dma_start3A_177 = tpu.memref_squeeze %dma_start3A_176 : memref<1x128x128xf32, #tpu.memory_space<vmem>> -> memref<128x128xf32, #tpu.memory_space<vmem>>
      tpu.enqueue_dma source(%dma_start3A_177 : memref<128x128xf32, #tpu.memory_space<vmem>>) target(%dma_start3A_173 : memref<128x128xf32, #tpu.memory_space<vmem_shared>>) target_semaphore(%run_scoped3A_165 : memref<!tpu.dma_semaphore, #tpu.memory_space<semaphore_mem>>)
      %dma_wait3A_178 = arith.constant 0 : i32
      %dma_wait3A_179 = arith.constant 0 : i32
      %dma_wait3A_180 = tpu.memref_slice %arg6[%run_scoped3A_13, %dma_wait3A_178, %dma_wait3A_179] : memref<2x200x128xf32, #tpu.memory_space<vmem>> -> memref<1x128x128xf32, #tpu.memory_space<vmem>>
      %dma_wait3A_181 = tpu.memref_squeeze %dma_wait3A_180 : memref<1x128x128xf32, #tpu.memory_space<vmem>> -> memref<128x128xf32, #tpu.memory_space<vmem>>
      %dma_wait3A_182 = arith.constant 0 : i32
      %dma_wait3A_183 = tpu.memref_slice %arg7[%add3A_11, %dma_wait3A_182] : memref<8192x128xf32, #tpu.memory_space<vmem_shared>> -> memref<128x128xf32, #tpu.memory_space<vmem_shared>>
      %dma_wait3A_184 = arith.constant 0 : i32
      %dma_wait3A_185 = tpu.memref_slice %arg7[%add3A_11, %dma_wait3A_184] : memref<8192x128xf32, #tpu.memory_space<vmem_shared>> -> memref<128x128xf32, #tpu.memory_space<vmem_shared>>
      %dma_wait3A_186 = arith.constant 0 : i32
      %dma_wait3A_187 = arith.constant 0 : i32
      %dma_wait3A_188 = tpu.memref_slice %arg6[%run_scoped3A_13, %dma_wait3A_186, %dma_wait3A_187] : memref<2x200x128xf32, #tpu.memory_space<vmem>> -> memref<1x128x128xf32, #tpu.memory_space<vmem>>
      %dma_wait3A_189 = tpu.memref_squeeze %dma_wait3A_188 : memref<1x128x128xf32, #tpu.memory_space<vmem>> -> memref<128x128xf32, #tpu.memory_space<vmem>>
      tpu.wait_dma2 semaphore(%run_scoped3A_165 : memref<!tpu.dma_semaphore, #tpu.memory_space<semaphore_mem>>) src(%dma_wait3A_189 : memref<128x128xf32, #tpu.memory_space<vmem>>) dst(%dma_wait3A_185 : memref<128x128xf32, #tpu.memory_space<vmem_shared>>)
      tpu.yield
    }) : () -> ()
    %mul3A_14 = arith.constant 512 : i32
    %mul3A_15 = arith.muli %arg1, %mul3A_14 : i32
    %add3A_16 = arith.constant 256 : i32
    %add3A_17 = arith.addi %mul3A_15, %add3A_16 : i32
    %run_scoped3A_18 = arith.constant 0 : i32
    "tpu.region"() ({
      %run_scoped3A_165 = tpu.sem_alloc : memref<!tpu.dma_semaphore, #tpu.memory_space<semaphore_mem>>
      %dma_start3A_166 = arith.constant 0 : i32
      %dma_start3A_167 = arith.constant 0 : i32
      %dma_start3A_168 = tpu.memref_slice %arg6[%run_scoped3A_18, %dma_start3A_166, %dma_start3A_167] : memref<2x200x128xf32, #tpu.memory_space<vmem>> -> memref<1x128x128xf32, #tpu.memory_space<vmem>>
      %dma_start3A_169 = tpu.memref_squeeze %dma_start3A_168 : memref<1x128x128xf32, #tpu.memory_space<vmem>> -> memref<128x128xf32, #tpu.memory_space<vmem>>
      %dma_start3A_170 = arith.constant 0 : i32
      %dma_start3A_171 = tpu.memref_slice %arg2[%add3A_17, %dma_start3A_170] : memref<8192x128xf32, #tpu.memory_space<hbm>> -> memref<128x128xf32, #tpu.memory_space<hbm>>
      %dma_start3A_172 = arith.constant 0 : i32
      %dma_start3A_173 = arith.constant 0 : i32
      %dma_start3A_174 = tpu.memref_slice %arg6[%run_scoped3A_18, %dma_start3A_172, %dma_start3A_173] : memref<2x200x128xf32, #tpu.memory_space<vmem>> -> memref<1x128x128xf32, #tpu.memory_space<vmem>>
      %dma_start3A_175 = tpu.memref_squeeze %dma_start3A_174 : memref<1x128x128xf32, #tpu.memory_space<vmem>> -> memref<128x128xf32, #tpu.memory_space<vmem>>
      %dma_start3A_176 = arith.constant 0 : i32
      %dma_start3A_177 = tpu.memref_slice %arg2[%add3A_17, %dma_start3A_176] : memref<8192x128xf32, #tpu.memory_space<hbm>> -> memref<128x128xf32, #tpu.memory_space<hbm>>
      tpu.enqueue_dma source(%dma_start3A_177 : memref<128x128xf32, #tpu.memory_space<hbm>>) target(%dma_start3A_175 : memref<128x128xf32, #tpu.memory_space<vmem>>) target_semaphore(%run_scoped3A_165 : memref<!tpu.dma_semaphore, #tpu.memory_space<semaphore_mem>>)
      %dma_wait3A_178 = arith.constant 0 : i32
      %dma_wait3A_179 = arith.constant 0 : i32
      %dma_wait3A_180 = tpu.memref_slice %arg6[%run_scoped3A_18, %dma_wait3A_178, %dma_wait3A_179] : memref<2x200x128xf32, #tpu.memory_space<vmem>> -> memref<1x128x128xf32, #tpu.memory_space<vmem>>
      %dma_wait3A_181 = tpu.memref_squeeze %dma_wait3A_180 : memref<1x128x128xf32, #tpu.memory_space<vmem>> -> memref<128x128xf32, #tpu.memory_space<vmem>>
      %dma_wait3A_182 = arith.constant 0 : i32
      %dma_wait3A_183 = tpu.memref_slice %arg2[%add3A_17, %dma_wait3A_182] : memref<8192x128xf32, #tpu.memory_space<hbm>> -> memref<128x128xf32, #tpu.memory_space<hbm>>
      %dma_wait3A_184 = arith.constant 0 : i32
      %dma_wait3A_185 = arith.constant 0 : i32
      %dma_wait3A_186 = tpu.memref_slice %arg6[%run_scoped3A_18, %dma_wait3A_184, %dma_wait3A_185] : memref<2x200x128xf32, #tpu.memory_space<vmem>> -> memref<1x128x128xf32, #tpu.memory_space<vmem>>
      %dma_wait3A_187 = tpu.memref_squeeze %dma_wait3A_186 : memref<1x128x128xf32, #tpu.memory_space<vmem>> -> memref<128x128xf32, #tpu.memory_space<vmem>>
      %dma_wait3A_188 = arith.constant 0 : i32
      %dma_wait3A_189 = tpu.memref_slice %arg2[%add3A_17, %dma_wait3A_188] : memref<8192x128xf32, #tpu.memory_space<hbm>> -> memref<128x128xf32, #tpu.memory_space<hbm>>
      tpu.wait_dma2 semaphore(%run_scoped3A_165 : memref<!tpu.dma_semaphore, #tpu.memory_space<semaphore_mem>>) src(%dma_wait3A_189 : memref<128x128xf32, #tpu.memory_space<hbm>>) dst(%dma_wait3A_187 : memref<128x128xf32, #tpu.memory_space<vmem>>)
      tpu.yield
    }) : () -> ()
    %run_scoped3A_19 = arith.constant 0 : i32
    "tpu.region"() ({
      %run_scoped3A_165 = tpu.sem_alloc : memref<!tpu.dma_semaphore, #tpu.memory_space<semaphore_mem>>
      %dma_start3A_166 = arith.constant 0 : i32
      %dma_start3A_167 = arith.constant 0 : i32
      %dma_start3A_168 = tpu.memref_slice %arg6[%run_scoped3A_19, %dma_start3A_166, %dma_start3A_167] : memref<2x200x128xf32, #tpu.memory_space<vmem>> -> memref<1x128x128xf32, #tpu.memory_space<vmem>>
      %dma_start3A_169 = tpu.memref_squeeze %dma_start3A_168 : memref<1x128x128xf32, #tpu.memory_space<vmem>> -> memref<128x128xf32, #tpu.memory_space<vmem>>
      %dma_start3A_170 = arith.constant 0 : i32
      %dma_start3A_171 = tpu.memref_slice %arg7[%add3A_17, %dma_start3A_170] : memref<8192x128xf32, #tpu.memory_space<vmem_shared>> -> memref<128x128xf32, #tpu.memory_space<vmem_shared>>
      %dma_start3A_172 = arith.constant 0 : i32
      %dma_start3A_173 = tpu.memref_slice %arg7[%add3A_17, %dma_start3A_172] : memref<8192x128xf32, #tpu.memory_space<vmem_shared>> -> memref<128x128xf32, #tpu.memory_space<vmem_shared>>
      %dma_start3A_174 = arith.constant 0 : i32
      %dma_start3A_175 = arith.constant 0 : i32
      %dma_start3A_176 = tpu.memref_slice %arg6[%run_scoped3A_19, %dma_start3A_174, %dma_start3A_175] : memref<2x200x128xf32, #tpu.memory_space<vmem>> -> memref<1x128x128xf32, #tpu.memory_space<vmem>>
      %dma_start3A_177 = tpu.memref_squeeze %dma_start3A_176 : memref<1x128x128xf32, #tpu.memory_space<vmem>> -> memref<128x128xf32, #tpu.memory_space<vmem>>
      tpu.enqueue_dma source(%dma_start3A_177 : memref<128x128xf32, #tpu.memory_space<vmem>>) target(%dma_start3A_173 : memref<128x128xf32, #tpu.memory_space<vmem_shared>>) target_semaphore(%run_scoped3A_165 : memref<!tpu.dma_semaphore, #tpu.memory_space<semaphore_mem>>)
      %dma_wait3A_178 = arith.constant 0 : i32
      %dma_wait3A_179 = arith.constant 0 : i32
      %dma_wait3A_180 = tpu.memref_slice %arg6[%run_scoped3A_19, %dma_wait3A_178, %dma_wait3A_179] : memref<2x200x128xf32, #tpu.memory_space<vmem>> -> memref<1x128x128xf32, #tpu.memory_space<vmem>>
      %dma_wait3A_181 = tpu.memref_squeeze %dma_wait3A_180 : memref<1x128x128xf32, #tpu.memory_space<vmem>> -> memref<128x128xf32, #tpu.memory_space<vmem>>
      %dma_wait3A_182 = arith.constant 0 : i32
      %dma_wait3A_183 = tpu.memref_slice %arg7[%add3A_17, %dma_wait3A_182] : memref<8192x128xf32, #tpu.memory_space<vmem_shared>> -> memref<128x128xf32, #tpu.memory_space<vmem_shared>>
      %dma_wait3A_184 = arith.constant 0 : i32
      %dma_wait3A_185 = tpu.memref_slice %arg7[%add3A_17, %dma_wait3A_184] : memref<8192x128xf32, #tpu.memory_space<vmem_shared>> -> memref<128x128xf32, #tpu.memory_space<vmem_shared>>
      %dma_wait3A_186 = arith.constant 0 : i32
      %dma_wait3A_187 = arith.constant 0 : i32
      %dma_wait3A_188 = tpu.memref_slice %arg6[%run_scoped3A_19, %dma_wait3A_186, %dma_wait3A_187] : memref<2x200x128xf32, #tpu.memory_space<vmem>> -> memref<1x128x128xf32, #tpu.memory_space<vmem>>
      %dma_wait3A_189 = tpu.memref_squeeze %dma_wait3A_188 : memref<1x128x128xf32, #tpu.memory_space<vmem>> -> memref<128x128xf32, #tpu.memory_space<vmem>>
      tpu.wait_dma2 semaphore(%run_scoped3A_165 : memref<!tpu.dma_semaphore, #tpu.memory_space<semaphore_mem>>) src(%dma_wait3A_189 : memref<128x128xf32, #tpu.memory_space<vmem>>) dst(%dma_wait3A_185 : memref<128x128xf32, #tpu.memory_space<vmem_shared>>)
      tpu.yield
    }) : () -> ()
    %mul3A_20 = arith.constant 512 : i32
    %mul3A_21 = arith.muli %arg1, %mul3A_20 : i32
    %add3A_22 = arith.constant 384 : i32
    %add3A_23 = arith.addi %mul3A_21, %add3A_22 : i32
    %run_scoped3A_24 = arith.constant 0 : i32
    "tpu.region"() ({
      %run_scoped3A_165 = tpu.sem_alloc : memref<!tpu.dma_semaphore, #tpu.memory_space<semaphore_mem>>
      %dma_start3A_166 = arith.constant 0 : i32
      %dma_start3A_167 = arith.constant 0 : i32
      %dma_start3A_168 = tpu.memref_slice %arg6[%run_scoped3A_24, %dma_start3A_166, %dma_start3A_167] : memref<2x200x128xf32, #tpu.memory_space<vmem>> -> memref<1x128x128xf32, #tpu.memory_space<vmem>>
      %dma_start3A_169 = tpu.memref_squeeze %dma_start3A_168 : memref<1x128x128xf32, #tpu.memory_space<vmem>> -> memref<128x128xf32, #tpu.memory_space<vmem>>
      %dma_start3A_170 = arith.constant 0 : i32
      %dma_start3A_171 = tpu.memref_slice %arg2[%add3A_23, %dma_start3A_170] : memref<8192x128xf32, #tpu.memory_space<hbm>> -> memref<128x128xf32, #tpu.memory_space<hbm>>
      %dma_start3A_172 = arith.constant 0 : i32
      %dma_start3A_173 = arith.constant 0 : i32
      %dma_start3A_174 = tpu.memref_slice %arg6[%run_scoped3A_24, %dma_start3A_172, %dma_start3A_173] : memref<2x200x128xf32, #tpu.memory_space<vmem>> -> memref<1x128x128xf32, #tpu.memory_space<vmem>>
      %dma_start3A_175 = tpu.memref_squeeze %dma_start3A_174 : memref<1x128x128xf32, #tpu.memory_space<vmem>> -> memref<128x128xf32, #tpu.memory_space<vmem>>
      %dma_start3A_176 = arith.constant 0 : i32
      %dma_start3A_177 = tpu.memref_slice %arg2[%add3A_23, %dma_start3A_176] : memref<8192x128xf32, #tpu.memory_space<hbm>> -> memref<128x128xf32, #tpu.memory_space<hbm>>
      tpu.enqueue_dma source(%dma_start3A_177 : memref<128x128xf32, #tpu.memory_space<hbm>>) target(%dma_start3A_175 : memref<128x128xf32, #tpu.memory_space<vmem>>) target_semaphore(%run_scoped3A_165 : memref<!tpu.dma_semaphore, #tpu.memory_space<semaphore_mem>>)
      %dma_wait3A_178 = arith.constant 0 : i32
      %dma_wait3A_179 = arith.constant 0 : i32
      %dma_wait3A_180 = tpu.memref_slice %arg6[%run_scoped3A_24, %dma_wait3A_178, %dma_wait3A_179] : memref<2x200x128xf32, #tpu.memory_space<vmem>> -> memref<1x128x128xf32, #tpu.memory_space<vmem>>
      %dma_wait3A_181 = tpu.memref_squeeze %dma_wait3A_180 : memref<1x128x128xf32, #tpu.memory_space<vmem>> -> memref<128x128xf32, #tpu.memory_space<vmem>>
      %dma_wait3A_182 = arith.constant 0 : i32
      %dma_wait3A_183 = tpu.memref_slice %arg2[%add3A_23, %dma_wait3A_182] : memref<8192x128xf32, #tpu.memory_space<hbm>> -> memref<128x128xf32, #tpu.memory_space<hbm>>
      %dma_wait3A_184 = arith.constant 0 : i32
      %dma_wait3A_185 = arith.constant 0 : i32
      %dma_wait3A_186 = tpu.memref_slice %arg6[%run_scoped3A_24, %dma_wait3A_184, %dma_wait3A_185] : memref<2x200x128xf32, #tpu.memory_space<vmem>> -> memref<1x128x128xf32, #tpu.memory_space<vmem>>
      %dma_wait3A_187 = tpu.memref_squeeze %dma_wait3A_186 : memref<1x128x128xf32, #tpu.memory_space<vmem>> -> memref<128x128xf32, #tpu.memory_space<vmem>>
      %dma_wait3A_188 = arith.constant 0 : i32
      %dma_wait3A_189 = tpu.memref_slice %arg2[%add3A_23, %dma_wait3A_188] : memref<8192x128xf32, #tpu.memory_space<hbm>> -> memref<128x128xf32, #tpu.memory_space<hbm>>
      tpu.wait_dma2 semaphore(%run_scoped3A_165 : memref<!tpu.dma_semaphore, #tpu.memory_space<semaphore_mem>>) src(%dma_wait3A_189 : memref<128x128xf32, #tpu.memory_space<hbm>>) dst(%dma_wait3A_187 : memref<128x128xf32, #tpu.memory_space<vmem>>)
      tpu.yield
    }) : () -> ()
    %run_scoped3A_25 = arith.constant 0 : i32
    "tpu.region"() ({
      %run_scoped3A_165 = tpu.sem_alloc : memref<!tpu.dma_semaphore, #tpu.memory_space<semaphore_mem>>
      %dma_start3A_166 = arith.constant 0 : i32
      %dma_start3A_167 = arith.constant 0 : i32
      %dma_start3A_168 = tpu.memref_slice %arg6[%run_scoped3A_25, %dma_start3A_166, %dma_start3A_167] : memref<2x200x128xf32, #tpu.memory_space<vmem>> -> memref<1x128x128xf32, #tpu.memory_space<vmem>>
      %dma_start3A_169 = tpu.memref_squeeze %dma_start3A_168 : memref<1x128x128xf32, #tpu.memory_space<vmem>> -> memref<128x128xf32, #tpu.memory_space<vmem>>
      %dma_start3A_170 = arith.constant 0 : i32
      %dma_start3A_171 = tpu.memref_slice %arg7[%add3A_23, %dma_start3A_170] : memref<8192x128xf32, #tpu.memory_space<vmem_shared>> -> memref<128x128xf32, #tpu.memory_space<vmem_shared>>
      %dma_start3A_172 = arith.constant 0 : i32
      %dma_start3A_173 = tpu.memref_slice %arg7[%add3A_23, %dma_start3A_172] : memref<8192x128xf32, #tpu.memory_space<vmem_shared>> -> memref<128x128xf32, #tpu.memory_space<vmem_shared>>
      %dma_start3A_174 = arith.constant 0 : i32
      %dma_start3A_175 = arith.constant 0 : i32
      %dma_start3A_176 = tpu.memref_slice %arg6[%run_scoped3A_25, %dma_start3A_174, %dma_start3A_175] : memref<2x200x128xf32, #tpu.memory_space<vmem>> -> memref<1x128x128xf32, #tpu.memory_space<vmem>>
      %dma_start3A_177 = tpu.memref_squeeze %dma_start3A_176 : memref<1x128x128xf32, #tpu.memory_space<vmem>> -> memref<128x128xf32, #tpu.memory_space<vmem>>
      tpu.enqueue_dma source(%dma_start3A_177 : memref<128x128xf32, #tpu.memory_space<vmem>>) target(%dma_start3A_173 : memref<128x128xf32, #tpu.memory_space<vmem_shared>>) target_semaphore(%run_scoped3A_165 : memref<!tpu.dma_semaphore, #tpu.memory_space<semaphore_mem>>)
      %dma_wait3A_178 = arith.constant 0 : i32
      %dma_wait3A_179 = arith.constant 0 : i32
      %dma_wait3A_180 = tpu.memref_slice %arg6[%run_scoped3A_25, %dma_wait3A_178, %dma_wait3A_179] : memref<2x200x128xf32, #tpu.memory_space<vmem>> -> memref<1x128x128xf32, #tpu.memory_space<vmem>>
      %dma_wait3A_181 = tpu.memref_squeeze %dma_wait3A_180 : memref<1x128x128xf32, #tpu.memory_space<vmem>> -> memref<128x128xf32, #tpu.memory_space<vmem>>
      %dma_wait3A_182 = arith.constant 0 : i32
      %dma_wait3A_183 = tpu.memref_slice %arg7[%add3A_23, %dma_wait3A_182] : memref<8192x128xf32, #tpu.memory_space<vmem_shared>> -> memref<128x128xf32, #tpu.memory_space<vmem_shared>>
      %dma_wait3A_184 = arith.constant 0 : i32
      %dma_wait3A_185 = tpu.memref_slice %arg7[%add3A_23, %dma_wait3A_184] : memref<8192x128xf32, #tpu.memory_space<vmem_shared>> -> memref<128x128xf32, #tpu.memory_space<vmem_shared>>
      %dma_wait3A_186 = arith.constant 0 : i32
      %dma_wait3A_187 = arith.constant 0 : i32
      %dma_wait3A_188 = tpu.memref_slice %arg6[%run_scoped3A_25, %dma_wait3A_186, %dma_wait3A_187] : memref<2x200x128xf32, #tpu.memory_space<vmem>> -> memref<1x128x128xf32, #tpu.memory_space<vmem>>
      %dma_wait3A_189 = tpu.memref_squeeze %dma_wait3A_188 : memref<1x128x128xf32, #tpu.memory_space<vmem>> -> memref<128x128xf32, #tpu.memory_space<vmem>>
      tpu.wait_dma2 semaphore(%run_scoped3A_165 : memref<!tpu.dma_semaphore, #tpu.memory_space<semaphore_mem>>) src(%dma_wait3A_189 : memref<128x128xf32, #tpu.memory_space<vmem>>) dst(%dma_wait3A_185 : memref<128x128xf32, #tpu.memory_space<vmem_shared>>)
      tpu.yield
    }) : () -> ()
    "tpu.region"() ({
      %run_scoped3A_165 = tpu.sem_alloc : memref<!tpu.dma_semaphore, #tpu.memory_space<semaphore_mem>>
      %dma_start3A_166 = arith.constant 0 : i32
      %dma_start3A_167 = tpu.memref_slice %arg5[%dma_start3A_166] : memref<800xi32, #tpu.memory_space<vmem>> -> memref<400xi32, #tpu.memory_space<vmem>>
      %dma_start3A_168 = tpu.memref_slice %arg3[%mul3A_2] : memref<819200xi32, #tpu.memory_space<hbm>> -> memref<400xi32, #tpu.memory_space<hbm>>
      %dma_start3A_169 = arith.constant 0 : i32
      %dma_start3A_170 = tpu.memref_slice %arg5[%dma_start3A_169] : memref<800xi32, #tpu.memory_space<vmem>> -> memref<400xi32, #tpu.memory_space<vmem>>
      %dma_start3A_171 = tpu.memref_slice %arg3[%mul3A_2] : memref<819200xi32, #tpu.memory_space<hbm>> -> memref<400xi32, #tpu.memory_space<hbm>>
      tpu.enqueue_dma source(%dma_start3A_171 : memref<400xi32, #tpu.memory_space<hbm>>) target(%dma_start3A_170 : memref<400xi32, #tpu.memory_space<vmem>>) target_semaphore(%run_scoped3A_165 : memref<!tpu.dma_semaphore, #tpu.memory_space<semaphore_mem>>)
      %dma_wait3A_172 = arith.constant 0 : i32
      %dma_wait3A_173 = tpu.memref_slice %arg5[%dma_wait3A_172] : memref<800xi32, #tpu.memory_space<vmem>> -> memref<400xi32, #tpu.memory_space<vmem>>
      %dma_wait3A_174 = tpu.memref_slice %arg3[%mul3A_2] : memref<819200xi32, #tpu.memory_space<hbm>> -> memref<400xi32, #tpu.memory_space<hbm>>
      %dma_wait3A_175 = arith.constant 0 : i32
      %dma_wait3A_176 = tpu.memref_slice %arg5[%dma_wait3A_175] : memref<800xi32, #tpu.memory_space<vmem>> -> memref<400xi32, #tpu.memory_space<vmem>>
      %dma_wait3A_177 = tpu.memref_slice %arg3[%mul3A_2] : memref<819200xi32, #tpu.memory_space<hbm>> -> memref<400xi32, #tpu.memory_space<hbm>>
      tpu.wait_dma2 semaphore(%run_scoped3A_165 : memref<!tpu.dma_semaphore, #tpu.memory_space<semaphore_mem>>) src(%dma_wait3A_177 : memref<400xi32, #tpu.memory_space<hbm>>) dst(%dma_wait3A_176 : memref<400xi32, #tpu.memory_space<vmem>>)
      tpu.yield
    }) : () -> ()
    %barrier3A = arith.constant 0 : index
    tpu.barrier barrier_id(%barrier3A)
    %dma_start3A = arith.constant 0 : i32
    %dma_start3A_26 = arith.constant 0 : i32
    %dma_start3A_27 = arith.constant 0 : i32
    %dma_start3A_28 = arith.constant 0 : i32
    %dma_start3A_29 = tpu.memref_slice %arg6[%dma_start3A, %dma_start3A_27, %dma_start3A_28] : memref<2x200x128xf32, #tpu.memory_space<vmem>> -> memref<1x200x128xf32, #tpu.memory_space<vmem>>
    %dma_start3A_30 = tpu.memref_squeeze %dma_start3A_29 : memref<1x200x128xf32, #tpu.memory_space<vmem>> -> memref<200x128xf32, #tpu.memory_space<vmem>>
    %dma_start3A_31 = arith.constant 0 : i32
    %dma_start3A_32 = tpu.memref_slice %arg5[%dma_start3A_31] : memref<800xi32, #tpu.memory_space<vmem>> -> memref<200xi32, #tpu.memory_space<vmem>>
    %dma_start3A_33 = arith.constant 0 : i32
    %dma_start3A_34 = arith.constant 0 : i32
    %dma_start3A_35 = tpu.memref_slice %arg7[%dma_start3A_33, %dma_start3A_34] : memref<8192x128xf32, #tpu.memory_space<vmem_shared>> -> memref<8192x128xf32, #tpu.memory_space<vmem_shared>>
    %dma_start3A_36 = tpu.memref_slice %arg8[%dma_start3A_26] : memref<2x!tpu.dma_semaphore, #tpu.memory_space<semaphore_mem>> -> memref<1x!tpu.dma_semaphore, #tpu.memory_space<semaphore_mem>>
    %dma_start3A_37 = tpu.memref_squeeze %dma_start3A_36 : memref<1x!tpu.dma_semaphore, #tpu.memory_space<semaphore_mem>> -> memref<!tpu.dma_semaphore, #tpu.memory_space<semaphore_mem>>
    tpu.enqueue_indirect_dma source(%dma_start3A_35 : memref<8192x128xf32, #tpu.memory_space<vmem_shared>>) target(%dma_start3A_30 : memref<200x128xf32, #tpu.memory_space<vmem>>) offsets(%dma_start3A_32 : memref<200xi32, #tpu.memory_space<vmem>>) semaphore(%dma_start3A_37 : memref<!tpu.dma_semaphore, #tpu.memory_space<semaphore_mem>>)
    %dma_start3A_38 = arith.constant 1 : i32
    %dma_start3A_39 = arith.constant 1 : i32
    %dma_start3A_40 = arith.constant 0 : i32
    %dma_start3A_41 = arith.constant 0 : i32
    %dma_start3A_42 = tpu.memref_slice %arg6[%dma_start3A_38, %dma_start3A_40, %dma_start3A_41] : memref<2x200x128xf32, #tpu.memory_space<vmem>> -> memref<1x200x128xf32, #tpu.memory_space<vmem>>
    %dma_start3A_43 = tpu.memref_squeeze %dma_start3A_42 : memref<1x200x128xf32, #tpu.memory_space<vmem>> -> memref<200x128xf32, #tpu.memory_space<vmem>>
    %dma_start3A_44 = arith.constant 200 : i32
    %dma_start3A_45 = tpu.memref_slice %arg5[%dma_start3A_44] : memref<800xi32, #tpu.memory_space<vmem>> -> memref<200xi32, #tpu.memory_space<vmem>>
    %dma_start3A_46 = arith.constant 0 : i32
    %dma_start3A_47 = arith.constant 0 : i32
    %dma_start3A_48 = tpu.memref_slice %arg7[%dma_start3A_46, %dma_start3A_47] : memref<8192x128xf32, #tpu.memory_space<vmem_shared>> -> memref<8192x128xf32, #tpu.memory_space<vmem_shared>>
    %dma_start3A_49 = tpu.memref_slice %arg8[%dma_start3A_39] : memref<2x!tpu.dma_semaphore, #tpu.memory_space<semaphore_mem>> -> memref<1x!tpu.dma_semaphore, #tpu.memory_space<semaphore_mem>>
    %dma_start3A_50 = tpu.memref_squeeze %dma_start3A_49 : memref<1x!tpu.dma_semaphore, #tpu.memory_space<semaphore_mem>> -> memref<!tpu.dma_semaphore, #tpu.memory_space<semaphore_mem>>
    tpu.enqueue_indirect_dma source(%dma_start3A_48 : memref<8192x128xf32, #tpu.memory_space<vmem_shared>>) target(%dma_start3A_43 : memref<200x128xf32, #tpu.memory_space<vmem>>) offsets(%dma_start3A_45 : memref<200xi32, #tpu.memory_space<vmem>>) semaphore(%dma_start3A_50 : memref<!tpu.dma_semaphore, #tpu.memory_space<semaphore_mem>>)
    %scan3A = arith.constant 0 : i32
    %scan3A_51 = arith.constant 0 : i32
    %scan3A_52 = arith.constant 63 : i32
    %scan3A_53 = arith.addi %scan3A_51, %scan3A_52 : i32
    %scan3A_54 = arith.constant 1 : i32
    scf.for %scan3A_165 = %scan3A_51 to %scan3A_53 step %scan3A_54  : i32 {
      %add3A_166 = arith.constant 1 : i32
      %add3A_167 = arith.addi %scan3A_165, %add3A_166 : i32
      %jit3A = arith.constant 2 : i32
      %eq3A = arith.constant 0 : i32
      %eq3A_168 = arith.cmpi eq, %jit3A, %eq3A : i32
      %jit3A_169 = arith.constant 1 : i32
      %select_n3A = arith.select %eq3A_168, %jit3A_169, %jit3A : i32
      %rem3A = arith.remsi %add3A_167, %select_n3A : i32
      %ne3A = arith.constant 0 : i32
      %ne3A_170 = arith.cmpi ne, %rem3A, %ne3A : i32
      %lt3A = arith.constant 0 : i32
      %lt3A_171 = arith.cmpi slt, %rem3A, %lt3A : i32
      %lt3A_172 = arith.constant 0 : i32
      %lt3A_173 = arith.cmpi slt, %select_n3A, %lt3A_172 : i32
      %ne3A_174 = arith.xori %lt3A_171, %lt3A_173 : i1
      %and3A = arith.andi %ne3A_174, %ne3A_170 : i1
      %add3A_175 = arith.addi %rem3A, %select_n3A : i32
      %select_n3A_176 = arith.select %and3A, %add3A_175, %rem3A : i32
      %mul3A_177 = arith.constant 400 : i32
      %mul3A_178 = arith.muli %select_n3A_176, %mul3A_177 : i32
      %add3A_179 = arith.constant 1 : i32
      %add3A_180 = arith.addi %scan3A_165, %add3A_179 : i32
      %mul3A_181 = arith.constant 400 : i32
      %mul3A_182 = arith.muli %add3A_180, %mul3A_181 : i32
      %add3A_183 = arith.addi %mul3A_2, %mul3A_182 : i32
      "tpu.region"() ({
        %run_scoped3A_326 = tpu.sem_alloc : memref<!tpu.dma_semaphore, #tpu.memory_space<semaphore_mem>>
        %dma_start3A_327 = tpu.memref_slice %arg5[%mul3A_178] : memref<800xi32, #tpu.memory_space<vmem>> -> memref<400xi32, #tpu.memory_space<vmem>>
        %dma_start3A_328 = tpu.memref_slice %arg3[%add3A_183] : memref<819200xi32, #tpu.memory_space<hbm>> -> memref<400xi32, #tpu.memory_space<hbm>>
        %dma_start3A_329 = tpu.memref_slice %arg5[%mul3A_178] : memref<800xi32, #tpu.memory_space<vmem>> -> memref<400xi32, #tpu.memory_space<vmem>>
        %dma_start3A_330 = tpu.memref_slice %arg3[%add3A_183] : memref<819200xi32, #tpu.memory_space<hbm>> -> memref<400xi32, #tpu.memory_space<hbm>>
        tpu.enqueue_dma source(%dma_start3A_330 : memref<400xi32, #tpu.memory_space<hbm>>) target(%dma_start3A_329 : memref<400xi32, #tpu.memory_space<vmem>>) target_semaphore(%run_scoped3A_326 : memref<!tpu.dma_semaphore, #tpu.memory_space<semaphore_mem>>)
        %dma_wait3A_331 = tpu.memref_slice %arg5[%mul3A_178] : memref<800xi32, #tpu.memory_space<vmem>> -> memref<400xi32, #tpu.memory_space<vmem>>
        %dma_wait3A_332 = tpu.memref_slice %arg3[%add3A_183] : memref<819200xi32, #tpu.memory_space<hbm>> -> memref<400xi32, #tpu.memory_space<hbm>>
        %dma_wait3A_333 = tpu.memref_slice %arg5[%mul3A_178] : memref<800xi32, #tpu.memory_space<vmem>> -> memref<400xi32, #tpu.memory_space<vmem>>
        %dma_wait3A_334 = tpu.memref_slice %arg3[%add3A_183] : memref<819200xi32, #tpu.memory_space<hbm>> -> memref<400xi32, #tpu.memory_space<hbm>>
        tpu.wait_dma2 semaphore(%run_scoped3A_326 : memref<!tpu.dma_semaphore, #tpu.memory_space<semaphore_mem>>) src(%dma_wait3A_334 : memref<400xi32, #tpu.memory_space<hbm>>) dst(%dma_wait3A_333 : memref<400xi32, #tpu.memory_space<vmem>>)
        tpu.yield
      }) : () -> ()
      %dma_wait3A_184 = arith.constant 0 : i32
      %dma_wait3A_185 = arith.constant 0 : i32
      %dma_wait3A_186 = arith.constant 0 : i32
      %dma_wait3A_187 = arith.constant 0 : i32
      %dma_wait3A_188 = tpu.memref_slice %arg6[%dma_wait3A_184, %dma_wait3A_186, %dma_wait3A_187] : memref<2x200x128xf32, #tpu.memory_space<vmem>> -> memref<1x200x128xf32, #tpu.memory_space<vmem>>
      %dma_wait3A_189 = tpu.memref_squeeze %dma_wait3A_188 : memref<1x200x128xf32, #tpu.memory_space<vmem>> -> memref<200x128xf32, #tpu.memory_space<vmem>>
      %dma_wait3A_190 = arith.constant 0 : i32
      %dma_wait3A_191 = arith.constant 0 : i32
      %dma_wait3A_192 = tpu.memref_slice %arg7[%dma_wait3A_190, %dma_wait3A_191] : memref<8192x128xf32, #tpu.memory_space<vmem_shared>> -> memref<200x128xf32, #tpu.memory_space<vmem_shared>>
      %dma_wait3A_193 = tpu.memref_slice %arg8[%dma_wait3A_185] : memref<2x!tpu.dma_semaphore, #tpu.memory_space<semaphore_mem>> -> memref<1x!tpu.dma_semaphore, #tpu.memory_space<semaphore_mem>>
      %dma_wait3A_194 = tpu.memref_squeeze %dma_wait3A_193 : memref<1x!tpu.dma_semaphore, #tpu.memory_space<semaphore_mem>> -> memref<!tpu.dma_semaphore, #tpu.memory_space<semaphore_mem>>
      %dma_wait3A_195 = arith.constant 0 : i32
      %dma_wait3A_196 = arith.constant 0 : i32
      %dma_wait3A_197 = tpu.memref_slice %arg6[%dma_wait3A_184, %dma_wait3A_195, %dma_wait3A_196] : memref<2x200x128xf32, #tpu.memory_space<vmem>> -> memref<1x200x128xf32, #tpu.memory_space<vmem>>
      %dma_wait3A_198 = tpu.memref_squeeze %dma_wait3A_197 : memref<1x200x128xf32, #tpu.memory_space<vmem>> -> memref<200x128xf32, #tpu.memory_space<vmem>>
      %dma_wait3A_199 = arith.constant 0 : i32
      %dma_wait3A_200 = arith.constant 0 : i32
      %dma_wait3A_201 = tpu.memref_slice %arg7[%dma_wait3A_199, %dma_wait3A_200] : memref<8192x128xf32, #tpu.memory_space<vmem_shared>> -> memref<200x128xf32, #tpu.memory_space<vmem_shared>>
      tpu.wait_dma2 semaphore(%dma_wait3A_194 : memref<!tpu.dma_semaphore, #tpu.memory_space<semaphore_mem>>) src(%dma_wait3A_201 : memref<200x128xf32, #tpu.memory_space<vmem_shared>>) dst(%dma_wait3A_198 : memref<200x128xf32, #tpu.memory_space<vmem>>)
      %mul3A_202 = arith.constant 400 : i32
      %mul3A_203 = arith.muli %scan3A_165, %mul3A_202 : i32
      %add3A_204 = arith.addi %mul3A_2, %mul3A_203 : i32
      %add3A_205 = arith.constant 0 : i32
      %add3A_206 = arith.addi %add3A_204, %add3A_205 : i32
      %dma_start3A_207 = arith.constant 0 : i32
      %dma_start3A_208 = arith.constant 0 : i32
      %dma_start3A_209 = arith.constant 0 : i32
      %dma_start3A_210 = arith.constant 0 : i32
      %dma_start3A_211 = tpu.memref_slice %arg6[%dma_start3A_207, %dma_start3A_209, %dma_start3A_210] : memref<2x200x128xf32, #tpu.memory_space<vmem>> -> memref<1x200x128xf32, #tpu.memory_space<vmem>>
      %dma_start3A_212 = tpu.memref_squeeze %dma_start3A_211 : memref<1x200x128xf32, #tpu.memory_space<vmem>> -> memref<200x128xf32, #tpu.memory_space<vmem>>
      %dma_start3A_213 = arith.constant 0 : i32
      %dma_start3A_214 = tpu.memref_slice %arg4[%add3A_206, %dma_start3A_213] : memref<819200x128xf32, #tpu.memory_space<hbm>> -> memref<200x128xf32, #tpu.memory_space<hbm>>
      %dma_start3A_215 = tpu.memref_slice %arg9[%dma_start3A_208] : memref<2x!tpu.dma_semaphore, #tpu.memory_space<semaphore_mem>> -> memref<1x!tpu.dma_semaphore, #tpu.memory_space<semaphore_mem>>
      %dma_start3A_216 = tpu.memref_squeeze %dma_start3A_215 : memref<1x!tpu.dma_semaphore, #tpu.memory_space<semaphore_mem>> -> memref<!tpu.dma_semaphore, #tpu.memory_space<semaphore_mem>>
      %dma_start3A_217 = arith.constant 0 : i32
      %dma_start3A_218 = tpu.memref_slice %arg4[%add3A_206, %dma_start3A_217] : memref<819200x128xf32, #tpu.memory_space<hbm>> -> memref<200x128xf32, #tpu.memory_space<hbm>>
      %dma_start3A_219 = arith.constant 0 : i32
      %dma_start3A_220 = arith.constant 0 : i32
      %dma_start3A_221 = tpu.memref_slice %arg6[%dma_start3A_207, %dma_start3A_219, %dma_start3A_220] : memref<2x200x128xf32, #tpu.memory_space<vmem>> -> memref<1x200x128xf32, #tpu.memory_space<vmem>>
      %dma_start3A_222 = tpu.memref_squeeze %dma_start3A_221 : memref<1x200x128xf32, #tpu.memory_space<vmem>> -> memref<200x128xf32, #tpu.memory_space<vmem>>
      tpu.enqueue_dma source(%dma_start3A_222 : memref<200x128xf32, #tpu.memory_space<vmem>>) target(%dma_start3A_218 : memref<200x128xf32, #tpu.memory_space<hbm>>) target_semaphore(%dma_start3A_216 : memref<!tpu.dma_semaphore, #tpu.memory_space<semaphore_mem>>)
      %dma_wait3A_223 = arith.constant 1 : i32
      %dma_wait3A_224 = arith.constant 1 : i32
      %dma_wait3A_225 = arith.constant 0 : i32
      %dma_wait3A_226 = arith.constant 0 : i32
      %dma_wait3A_227 = tpu.memref_slice %arg6[%dma_wait3A_223, %dma_wait3A_225, %dma_wait3A_226] : memref<2x200x128xf32, #tpu.memory_space<vmem>> -> memref<1x200x128xf32, #tpu.memory_space<vmem>>
      %dma_wait3A_228 = tpu.memref_squeeze %dma_wait3A_227 : memref<1x200x128xf32, #tpu.memory_space<vmem>> -> memref<200x128xf32, #tpu.memory_space<vmem>>
      %dma_wait3A_229 = arith.constant 0 : i32
      %dma_wait3A_230 = arith.constant 0 : i32
      %dma_wait3A_231 = tpu.memref_slice %arg7[%dma_wait3A_229, %dma_wait3A_230] : memref<8192x128xf32, #tpu.memory_space<vmem_shared>> -> memref<200x128xf32, #tpu.memory_space<vmem_shared>>
      %dma_wait3A_232 = tpu.memref_slice %arg8[%dma_wait3A_224] : memref<2x!tpu.dma_semaphore, #tpu.memory_space<semaphore_mem>> -> memref<1x!tpu.dma_semaphore, #tpu.memory_space<semaphore_mem>>
      %dma_wait3A_233 = tpu.memref_squeeze %dma_wait3A_232 : memref<1x!tpu.dma_semaphore, #tpu.memory_space<semaphore_mem>> -> memref<!tpu.dma_semaphore, #tpu.memory_space<semaphore_mem>>
      %dma_wait3A_234 = arith.constant 0 : i32
      %dma_wait3A_235 = arith.constant 0 : i32
      %dma_wait3A_236 = tpu.memref_slice %arg6[%dma_wait3A_223, %dma_wait3A_234, %dma_wait3A_235] : memref<2x200x128xf32, #tpu.memory_space<vmem>> -> memref<1x200x128xf32, #tpu.memory_space<vmem>>
      %dma_wait3A_237 = tpu.memref_squeeze %dma_wait3A_236 : memref<1x200x128xf32, #tpu.memory_space<vmem>> -> memref<200x128xf32, #tpu.memory_space<vmem>>
      %dma_wait3A_238 = arith.constant 0 : i32
      %dma_wait3A_239 = arith.constant 0 : i32
      %dma_wait3A_240 = tpu.memref_slice %arg7[%dma_wait3A_238, %dma_wait3A_239] : memref<8192x128xf32, #tpu.memory_space<vmem_shared>> -> memref<200x128xf32, #tpu.memory_space<vmem_shared>>
      tpu.wait_dma2 semaphore(%dma_wait3A_233 : memref<!tpu.dma_semaphore, #tpu.memory_space<semaphore_mem>>) src(%dma_wait3A_240 : memref<200x128xf32, #tpu.memory_space<vmem_shared>>) dst(%dma_wait3A_237 : memref<200x128xf32, #tpu.memory_space<vmem>>)
      %mul3A_241 = arith.constant 400 : i32
      %mul3A_242 = arith.muli %scan3A_165, %mul3A_241 : i32
      %add3A_243 = arith.addi %mul3A_2, %mul3A_242 : i32
      %add3A_244 = arith.constant 200 : i32
      %add3A_245 = arith.addi %add3A_243, %add3A_244 : i32
      %dma_start3A_246 = arith.constant 1 : i32
      %dma_start3A_247 = arith.constant 1 : i32
      %dma_start3A_248 = arith.constant 0 : i32
      %dma_start3A_249 = arith.constant 0 : i32
      %dma_start3A_250 = tpu.memref_slice %arg6[%dma_start3A_246, %dma_start3A_248, %dma_start3A_249] : memref<2x200x128xf32, #tpu.memory_space<vmem>> -> memref<1x200x128xf32, #tpu.memory_space<vmem>>
      %dma_start3A_251 = tpu.memref_squeeze %dma_start3A_250 : memref<1x200x128xf32, #tpu.memory_space<vmem>> -> memref<200x128xf32, #tpu.memory_space<vmem>>
      %dma_start3A_252 = arith.constant 0 : i32
      %dma_start3A_253 = tpu.memref_slice %arg4[%add3A_245, %dma_start3A_252] : memref<819200x128xf32, #tpu.memory_space<hbm>> -> memref<200x128xf32, #tpu.memory_space<hbm>>
      %dma_start3A_254 = tpu.memref_slice %arg9[%dma_start3A_247] : memref<2x!tpu.dma_semaphore, #tpu.memory_space<semaphore_mem>> -> memref<1x!tpu.dma_semaphore, #tpu.memory_space<semaphore_mem>>
      %dma_start3A_255 = tpu.memref_squeeze %dma_start3A_254 : memref<1x!tpu.dma_semaphore, #tpu.memory_space<semaphore_mem>> -> memref<!tpu.dma_semaphore, #tpu.memory_space<semaphore_mem>>
      %dma_start3A_256 = arith.constant 0 : i32
      %dma_start3A_257 = tpu.memref_slice %arg4[%add3A_245, %dma_start3A_256] : memref<819200x128xf32, #tpu.memory_space<hbm>> -> memref<200x128xf32, #tpu.memory_space<hbm>>
      %dma_start3A_258 = arith.constant 0 : i32
      %dma_start3A_259 = arith.constant 0 : i32
      %dma_start3A_260 = tpu.memref_slice %arg6[%dma_start3A_246, %dma_start3A_258, %dma_start3A_259] : memref<2x200x128xf32, #tpu.memory_space<vmem>> -> memref<1x200x128xf32, #tpu.memory_space<vmem>>
      %dma_start3A_261 = tpu.memref_squeeze %dma_start3A_260 : memref<1x200x128xf32, #tpu.memory_space<vmem>> -> memref<200x128xf32, #tpu.memory_space<vmem>>
      tpu.enqueue_dma source(%dma_start3A_261 : memref<200x128xf32, #tpu.memory_space<vmem>>) target(%dma_start3A_257 : memref<200x128xf32, #tpu.memory_space<hbm>>) target_semaphore(%dma_start3A_255 : memref<!tpu.dma_semaphore, #tpu.memory_space<semaphore_mem>>)
      %dma_wait3A_262 = arith.constant 0 : i32
      %dma_wait3A_263 = arith.constant 0 : i32
      %dma_wait3A_264 = arith.constant 0 : i32
      %dma_wait3A_265 = arith.constant 0 : i32
      %dma_wait3A_266 = tpu.memref_slice %arg6[%dma_wait3A_262, %dma_wait3A_264, %dma_wait3A_265] : memref<2x200x128xf32, #tpu.memory_space<vmem>> -> memref<1x200x128xf32, #tpu.memory_space<vmem>>
      %dma_wait3A_267 = tpu.memref_squeeze %dma_wait3A_266 : memref<1x200x128xf32, #tpu.memory_space<vmem>> -> memref<200x128xf32, #tpu.memory_space<vmem>>
      %dma_wait3A_268 = arith.constant 0 : i32
      %dma_wait3A_269 = arith.constant 0 : i32
      %dma_wait3A_270 = tpu.memref_slice %arg4[%dma_wait3A_268, %dma_wait3A_269] : memref<819200x128xf32, #tpu.memory_space<hbm>> -> memref<200x128xf32, #tpu.memory_space<hbm>>
      %dma_wait3A_271 = tpu.memref_slice %arg9[%dma_wait3A_263] : memref<2x!tpu.dma_semaphore, #tpu.memory_space<semaphore_mem>> -> memref<1x!tpu.dma_semaphore, #tpu.memory_space<semaphore_mem>>
      %dma_wait3A_272 = tpu.memref_squeeze %dma_wait3A_271 : memref<1x!tpu.dma_semaphore, #tpu.memory_space<semaphore_mem>> -> memref<!tpu.dma_semaphore, #tpu.memory_space<semaphore_mem>>
      %dma_wait3A_273 = arith.constant 0 : i32
      %dma_wait3A_274 = arith.constant 0 : i32
      %dma_wait3A_275 = tpu.memref_slice %arg4[%dma_wait3A_273, %dma_wait3A_274] : memref<819200x128xf32, #tpu.memory_space<hbm>> -> memref<200x128xf32, #tpu.memory_space<hbm>>
      %dma_wait3A_276 = arith.constant 0 : i32
      %dma_wait3A_277 = arith.constant 0 : i32
      %dma_wait3A_278 = tpu.memref_slice %arg6[%dma_wait3A_262, %dma_wait3A_276, %dma_wait3A_277] : memref<2x200x128xf32, #tpu.memory_space<vmem>> -> memref<1x200x128xf32, #tpu.memory_space<vmem>>
      %dma_wait3A_279 = tpu.memref_squeeze %dma_wait3A_278 : memref<1x200x128xf32, #tpu.memory_space<vmem>> -> memref<200x128xf32, #tpu.memory_space<vmem>>
      tpu.wait_dma2 semaphore(%dma_wait3A_272 : memref<!tpu.dma_semaphore, #tpu.memory_space<semaphore_mem>>) src(%dma_wait3A_279 : memref<200x128xf32, #tpu.memory_space<vmem>>) dst(%dma_wait3A_275 : memref<200x128xf32, #tpu.memory_space<hbm>>)
      %add3A_280 = arith.constant 0 : i32
      %add3A_281 = arith.addi %mul3A_178, %add3A_280 : i32
      %dma_start3A_282 = arith.constant 0 : i32
      %dma_start3A_283 = arith.constant 0 : i32
      %dma_start3A_284 = arith.constant 0 : i32
      %dma_start3A_285 = arith.constant 0 : i32
      %dma_start3A_286 = tpu.memref_slice %arg6[%dma_start3A_282, %dma_start3A_284, %dma_start3A_285] : memref<2x200x128xf32, #tpu.memory_space<vmem>> -> memref<1x200x128xf32, #tpu.memory_space<vmem>>
      %dma_start3A_287 = tpu.memref_squeeze %dma_start3A_286 : memref<1x200x128xf32, #tpu.memory_space<vmem>> -> memref<200x128xf32, #tpu.memory_space<vmem>>
      %dma_start3A_288 = tpu.memref_slice %arg5[%add3A_281] : memref<800xi32, #tpu.memory_space<vmem>> -> memref<200xi32, #tpu.memory_space<vmem>>
      %dma_start3A_289 = arith.constant 0 : i32
      %dma_start3A_290 = arith.constant 0 : i32
      %dma_start3A_291 = tpu.memref_slice %arg7[%dma_start3A_289, %dma_start3A_290] : memref<8192x128xf32, #tpu.memory_space<vmem_shared>> -> memref<8192x128xf32, #tpu.memory_space<vmem_shared>>
      %dma_start3A_292 = tpu.memref_slice %arg8[%dma_start3A_283] : memref<2x!tpu.dma_semaphore, #tpu.memory_space<semaphore_mem>> -> memref<1x!tpu.dma_semaphore, #tpu.memory_space<semaphore_mem>>
      %dma_start3A_293 = tpu.memref_squeeze %dma_start3A_292 : memref<1x!tpu.dma_semaphore, #tpu.memory_space<semaphore_mem>> -> memref<!tpu.dma_semaphore, #tpu.memory_space<semaphore_mem>>
      tpu.enqueue_indirect_dma source(%dma_start3A_291 : memref<8192x128xf32, #tpu.memory_space<vmem_shared>>) target(%dma_start3A_287 : memref<200x128xf32, #tpu.memory_space<vmem>>) offsets(%dma_start3A_288 : memref<200xi32, #tpu.memory_space<vmem>>) semaphore(%dma_start3A_293 : memref<!tpu.dma_semaphore, #tpu.memory_space<semaphore_mem>>)
      %dma_wait3A_294 = arith.constant 1 : i32
      %dma_wait3A_295 = arith.constant 1 : i32
      %dma_wait3A_296 = arith.constant 0 : i32
      %dma_wait3A_297 = arith.constant 0 : i32
      %dma_wait3A_298 = tpu.memref_slice %arg6[%dma_wait3A_294, %dma_wait3A_296, %dma_wait3A_297] : memref<2x200x128xf32, #tpu.memory_space<vmem>> -> memref<1x200x128xf32, #tpu.memory_space<vmem>>
      %dma_wait3A_299 = tpu.memref_squeeze %dma_wait3A_298 : memref<1x200x128xf32, #tpu.memory_space<vmem>> -> memref<200x128xf32, #tpu.memory_space<vmem>>
      %dma_wait3A_300 = arith.constant 0 : i32
      %dma_wait3A_301 = arith.constant 0 : i32
      %dma_wait3A_302 = tpu.memref_slice %arg4[%dma_wait3A_300, %dma_wait3A_301] : memref<819200x128xf32, #tpu.memory_space<hbm>> -> memref<200x128xf32, #tpu.memory_space<hbm>>
      %dma_wait3A_303 = tpu.memref_slice %arg9[%dma_wait3A_295] : memref<2x!tpu.dma_semaphore, #tpu.memory_space<semaphore_mem>> -> memref<1x!tpu.dma_semaphore, #tpu.memory_space<semaphore_mem>>
      %dma_wait3A_304 = tpu.memref_squeeze %dma_wait3A_303 : memref<1x!tpu.dma_semaphore, #tpu.memory_space<semaphore_mem>> -> memref<!tpu.dma_semaphore, #tpu.memory_space<semaphore_mem>>
      %dma_wait3A_305 = arith.constant 0 : i32
      %dma_wait3A_306 = arith.constant 0 : i32
      %dma_wait3A_307 = tpu.memref_slice %arg4[%dma_wait3A_305, %dma_wait3A_306] : memref<819200x128xf32, #tpu.memory_space<hbm>> -> memref<200x128xf32, #tpu.memory_space<hbm>>
      %dma_wait3A_308 = arith.constant 0 : i32
      %dma_wait3A_309 = arith.constant 0 : i32
      %dma_wait3A_310 = tpu.memref_slice %arg6[%dma_wait3A_294, %dma_wait3A_308, %dma_wait3A_309] : memref<2x200x128xf32, #tpu.memory_space<vmem>> -> memref<1x200x128xf32, #tpu.memory_space<vmem>>
      %dma_wait3A_311 = tpu.memref_squeeze %dma_wait3A_310 : memref<1x200x128xf32, #tpu.memory_space<vmem>> -> memref<200x128xf32, #tpu.memory_space<vmem>>
      tpu.wait_dma2 semaphore(%dma_wait3A_304 : memref<!tpu.dma_semaphore, #tpu.memory_space<semaphore_mem>>) src(%dma_wait3A_311 : memref<200x128xf32, #tpu.memory_space<vmem>>) dst(%dma_wait3A_307 : memref<200x128xf32, #tpu.memory_space<hbm>>)
      %add3A_312 = arith.constant 200 : i32
      %add3A_313 = arith.addi %mul3A_178, %add3A_312 : i32
      %dma_start3A_314 = arith.constant 1 : i32
      %dma_start3A_315 = arith.constant 1 : i32
      %dma_start3A_316 = arith.constant 0 : i32
      %dma_start3A_317 = arith.constant 0 : i32
      %dma_start3A_318 = tpu.memref_slice %arg6[%dma_start3A_314, %dma_start3A_316, %dma_start3A_317] : memref<2x200x128xf32, #tpu.memory_space<vmem>> -> memref<1x200x128xf32, #tpu.memory_space<vmem>>
      %dma_start3A_319 = tpu.memref_squeeze %dma_start3A_318 : memref<1x200x128xf32, #tpu.memory_space<vmem>> -> memref<200x128xf32, #tpu.memory_space<vmem>>
      %dma_start3A_320 = tpu.memref_slice %arg5[%add3A_313] : memref<800xi32, #tpu.memory_space<vmem>> -> memref<200xi32, #tpu.memory_space<vmem>>
      %dma_start3A_321 = arith.constant 0 : i32
      %dma_start3A_322 = arith.constant 0 : i32
      %dma_start3A_323 = tpu.memref_slice %arg7[%dma_start3A_321, %dma_start3A_322] : memref<8192x128xf32, #tpu.memory_space<vmem_shared>> -> memref<8192x128xf32, #tpu.memory_space<vmem_shared>>
      %dma_start3A_324 = tpu.memref_slice %arg8[%dma_start3A_315] : memref<2x!tpu.dma_semaphore, #tpu.memory_space<semaphore_mem>> -> memref<1x!tpu.dma_semaphore, #tpu.memory_space<semaphore_mem>>
      %dma_start3A_325 = tpu.memref_squeeze %dma_start3A_324 : memref<1x!tpu.dma_semaphore, #tpu.memory_space<semaphore_mem>> -> memref<!tpu.dma_semaphore, #tpu.memory_space<semaphore_mem>>
      tpu.enqueue_indirect_dma source(%dma_start3A_323 : memref<8192x128xf32, #tpu.memory_space<vmem_shared>>) target(%dma_start3A_319 : memref<200x128xf32, #tpu.memory_space<vmem>>) offsets(%dma_start3A_320 : memref<200xi32, #tpu.memory_space<vmem>>) semaphore(%dma_start3A_325 : memref<!tpu.dma_semaphore, #tpu.memory_space<semaphore_mem>>)
    }
    %scan3A_55 = arith.constant 63 : i32
    %add3A_56 = arith.constant 25200 : i32
    %add3A_57 = arith.addi %mul3A_2, %add3A_56 : i32
    %dma_wait3A = arith.constant 0 : i32
    %dma_wait3A_58 = arith.constant 0 : i32
    %dma_wait3A_59 = arith.constant 0 : i32
    %dma_wait3A_60 = arith.constant 0 : i32
    %dma_wait3A_61 = tpu.memref_slice %arg6[%dma_wait3A, %dma_wait3A_59, %dma_wait3A_60] : memref<2x200x128xf32, #tpu.memory_space<vmem>> -> memref<1x200x128xf32, #tpu.memory_space<vmem>>
    %dma_wait3A_62 = tpu.memref_squeeze %dma_wait3A_61 : memref<1x200x128xf32, #tpu.memory_space<vmem>> -> memref<200x128xf32, #tpu.memory_space<vmem>>
    %dma_wait3A_63 = arith.constant 0 : i32
    %dma_wait3A_64 = arith.constant 0 : i32
    %dma_wait3A_65 = tpu.memref_slice %arg7[%dma_wait3A_63, %dma_wait3A_64] : memref<8192x128xf32, #tpu.memory_space<vmem_shared>> -> memref<200x128xf32, #tpu.memory_space<vmem_shared>>
    %dma_wait3A_66 = tpu.memref_slice %arg8[%dma_wait3A_58] : memref<2x!tpu.dma_semaphore, #tpu.memory_space<semaphore_mem>> -> memref<1x!tpu.dma_semaphore, #tpu.memory_space<semaphore_mem>>
    %dma_wait3A_67 = tpu.memref_squeeze %dma_wait3A_66 : memref<1x!tpu.dma_semaphore, #tpu.memory_space<semaphore_mem>> -> memref<!tpu.dma_semaphore, #tpu.memory_space<semaphore_mem>>
    %dma_wait3A_68 = arith.constant 0 : i32
    %dma_wait3A_69 = arith.constant 0 : i32
    %dma_wait3A_70 = tpu.memref_slice %arg6[%dma_wait3A, %dma_wait3A_68, %dma_wait3A_69] : memref<2x200x128xf32, #tpu.memory_space<vmem>> -> memref<1x200x128xf32, #tpu.memory_space<vmem>>
    %dma_wait3A_71 = tpu.memref_squeeze %dma_wait3A_70 : memref<1x200x128xf32, #tpu.memory_space<vmem>> -> memref<200x128xf32, #tpu.memory_space<vmem>>
    %dma_wait3A_72 = arith.constant 0 : i32
    %dma_wait3A_73 = arith.constant 0 : i32
    %dma_wait3A_74 = tpu.memref_slice %arg7[%dma_wait3A_72, %dma_wait3A_73] : memref<8192x128xf32, #tpu.memory_space<vmem_shared>> -> memref<200x128xf32, #tpu.memory_space<vmem_shared>>
    tpu.wait_dma2 semaphore(%dma_wait3A_67 : memref<!tpu.dma_semaphore, #tpu.memory_space<semaphore_mem>>) src(%dma_wait3A_74 : memref<200x128xf32, #tpu.memory_space<vmem_shared>>) dst(%dma_wait3A_71 : memref<200x128xf32, #tpu.memory_space<vmem>>)
    %add3A_75 = arith.constant 0 : i32
    %add3A_76 = arith.addi %add3A_57, %add3A_75 : i32
    %dma_start3A_77 = arith.constant 0 : i32
    %dma_start3A_78 = arith.constant 0 : i32
    %dma_start3A_79 = arith.constant 0 : i32
    %dma_start3A_80 = arith.constant 0 : i32
    %dma_start3A_81 = tpu.memref_slice %arg6[%dma_start3A_77, %dma_start3A_79, %dma_start3A_80] : memref<2x200x128xf32, #tpu.memory_space<vmem>> -> memref<1x200x128xf32, #tpu.memory_space<vmem>>
    %dma_start3A_82 = tpu.memref_squeeze %dma_start3A_81 : memref<1x200x128xf32, #tpu.memory_space<vmem>> -> memref<200x128xf32, #tpu.memory_space<vmem>>
    %dma_start3A_83 = arith.constant 0 : i32
    %dma_start3A_84 = tpu.memref_slice %arg4[%add3A_76, %dma_start3A_83] : memref<819200x128xf32, #tpu.memory_space<hbm>> -> memref<200x128xf32, #tpu.memory_space<hbm>>
    %dma_start3A_85 = tpu.memref_slice %arg9[%dma_start3A_78] : memref<2x!tpu.dma_semaphore, #tpu.memory_space<semaphore_mem>> -> memref<1x!tpu.dma_semaphore, #tpu.memory_space<semaphore_mem>>
    %dma_start3A_86 = tpu.memref_squeeze %dma_start3A_85 : memref<1x!tpu.dma_semaphore, #tpu.memory_space<semaphore_mem>> -> memref<!tpu.dma_semaphore, #tpu.memory_space<semaphore_mem>>
    %dma_start3A_87 = arith.constant 0 : i32
    %dma_start3A_88 = tpu.memref_slice %arg4[%add3A_76, %dma_start3A_87] : memref<819200x128xf32, #tpu.memory_space<hbm>> -> memref<200x128xf32, #tpu.memory_space<hbm>>
    %dma_start3A_89 = arith.constant 0 : i32
    %dma_start3A_90 = arith.constant 0 : i32
    %dma_start3A_91 = tpu.memref_slice %arg6[%dma_start3A_77, %dma_start3A_89, %dma_start3A_90] : memref<2x200x128xf32, #tpu.memory_space<vmem>> -> memref<1x200x128xf32, #tpu.memory_space<vmem>>
    %dma_start3A_92 = tpu.memref_squeeze %dma_start3A_91 : memref<1x200x128xf32, #tpu.memory_space<vmem>> -> memref<200x128xf32, #tpu.memory_space<vmem>>
    tpu.enqueue_dma source(%dma_start3A_92 : memref<200x128xf32, #tpu.memory_space<vmem>>) target(%dma_start3A_88 : memref<200x128xf32, #tpu.memory_space<hbm>>) target_semaphore(%dma_start3A_86 : memref<!tpu.dma_semaphore, #tpu.memory_space<semaphore_mem>>)
    %dma_wait3A_93 = arith.constant 1 : i32
    %dma_wait3A_94 = arith.constant 1 : i32
    %dma_wait3A_95 = arith.constant 0 : i32
    %dma_wait3A_96 = arith.constant 0 : i32
    %dma_wait3A_97 = tpu.memref_slice %arg6[%dma_wait3A_93, %dma_wait3A_95, %dma_wait3A_96] : memref<2x200x128xf32, #tpu.memory_space<vmem>> -> memref<1x200x128xf32, #tpu.memory_space<vmem>>
    %dma_wait3A_98 = tpu.memref_squeeze %dma_wait3A_97 : memref<1x200x128xf32, #tpu.memory_space<vmem>> -> memref<200x128xf32, #tpu.memory_space<vmem>>
    %dma_wait3A_99 = arith.constant 0 : i32
    %dma_wait3A_100 = arith.constant 0 : i32
    %dma_wait3A_101 = tpu.memref_slice %arg7[%dma_wait3A_99, %dma_wait3A_100] : memref<8192x128xf32, #tpu.memory_space<vmem_shared>> -> memref<200x128xf32, #tpu.memory_space<vmem_shared>>
    %dma_wait3A_102 = tpu.memref_slice %arg8[%dma_wait3A_94] : memref<2x!tpu.dma_semaphore, #tpu.memory_space<semaphore_mem>> -> memref<1x!tpu.dma_semaphore, #tpu.memory_space<semaphore_mem>>
    %dma_wait3A_103 = tpu.memref_squeeze %dma_wait3A_102 : memref<1x!tpu.dma_semaphore, #tpu.memory_space<semaphore_mem>> -> memref<!tpu.dma_semaphore, #tpu.memory_space<semaphore_mem>>
    %dma_wait3A_104 = arith.constant 0 : i32
    %dma_wait3A_105 = arith.constant 0 : i32
    %dma_wait3A_106 = tpu.memref_slice %arg6[%dma_wait3A_93, %dma_wait3A_104, %dma_wait3A_105] : memref<2x200x128xf32, #tpu.memory_space<vmem>> -> memref<1x200x128xf32, #tpu.memory_space<vmem>>
    %dma_wait3A_107 = tpu.memref_squeeze %dma_wait3A_106 : memref<1x200x128xf32, #tpu.memory_space<vmem>> -> memref<200x128xf32, #tpu.memory_space<vmem>>
    %dma_wait3A_108 = arith.constant 0 : i32
    %dma_wait3A_109 = arith.constant 0 : i32
    %dma_wait3A_110 = tpu.memref_slice %arg7[%dma_wait3A_108, %dma_wait3A_109] : memref<8192x128xf32, #tpu.memory_space<vmem_shared>> -> memref<200x128xf32, #tpu.memory_space<vmem_shared>>
    tpu.wait_dma2 semaphore(%dma_wait3A_103 : memref<!tpu.dma_semaphore, #tpu.memory_space<semaphore_mem>>) src(%dma_wait3A_110 : memref<200x128xf32, #tpu.memory_space<vmem_shared>>) dst(%dma_wait3A_107 : memref<200x128xf32, #tpu.memory_space<vmem>>)
    %add3A_111 = arith.constant 200 : i32
    %add3A_112 = arith.addi %add3A_57, %add3A_111 : i32
    %dma_start3A_113 = arith.constant 1 : i32
    %dma_start3A_114 = arith.constant 1 : i32
    %dma_start3A_115 = arith.constant 0 : i32
    %dma_start3A_116 = arith.constant 0 : i32
    %dma_start3A_117 = tpu.memref_slice %arg6[%dma_start3A_113, %dma_start3A_115, %dma_start3A_116] : memref<2x200x128xf32, #tpu.memory_space<vmem>> -> memref<1x200x128xf32, #tpu.memory_space<vmem>>
    %dma_start3A_118 = tpu.memref_squeeze %dma_start3A_117 : memref<1x200x128xf32, #tpu.memory_space<vmem>> -> memref<200x128xf32, #tpu.memory_space<vmem>>
    %dma_start3A_119 = arith.constant 0 : i32
    %dma_start3A_120 = tpu.memref_slice %arg4[%add3A_112, %dma_start3A_119] : memref<819200x128xf32, #tpu.memory_space<hbm>> -> memref<200x128xf32, #tpu.memory_space<hbm>>
    %dma_start3A_121 = tpu.memref_slice %arg9[%dma_start3A_114] : memref<2x!tpu.dma_semaphore, #tpu.memory_space<semaphore_mem>> -> memref<1x!tpu.dma_semaphore, #tpu.memory_space<semaphore_mem>>
    %dma_start3A_122 = tpu.memref_squeeze %dma_start3A_121 : memref<1x!tpu.dma_semaphore, #tpu.memory_space<semaphore_mem>> -> memref<!tpu.dma_semaphore, #tpu.memory_space<semaphore_mem>>
    %dma_start3A_123 = arith.constant 0 : i32
    %dma_start3A_124 = tpu.memref_slice %arg4[%add3A_112, %dma_start3A_123] : memref<819200x128xf32, #tpu.memory_space<hbm>> -> memref<200x128xf32, #tpu.memory_space<hbm>>
    %dma_start3A_125 = arith.constant 0 : i32
    %dma_start3A_126 = arith.constant 0 : i32
    %dma_start3A_127 = tpu.memref_slice %arg6[%dma_start3A_113, %dma_start3A_125, %dma_start3A_126] : memref<2x200x128xf32, #tpu.memory_space<vmem>> -> memref<1x200x128xf32, #tpu.memory_space<vmem>>
    %dma_start3A_128 = tpu.memref_squeeze %dma_start3A_127 : memref<1x200x128xf32, #tpu.memory_space<vmem>> -> memref<200x128xf32, #tpu.memory_space<vmem>>
    tpu.enqueue_dma source(%dma_start3A_128 : memref<200x128xf32, #tpu.memory_space<vmem>>) target(%dma_start3A_124 : memref<200x128xf32, #tpu.memory_space<hbm>>) target_semaphore(%dma_start3A_122 : memref<!tpu.dma_semaphore, #tpu.memory_space<semaphore_mem>>)
    %dma_wait3A_129 = arith.constant 0 : i32
    %dma_wait3A_130 = arith.constant 0 : i32
    %dma_wait3A_131 = arith.constant 0 : i32
    %dma_wait3A_132 = arith.constant 0 : i32
    %dma_wait3A_133 = tpu.memref_slice %arg6[%dma_wait3A_129, %dma_wait3A_131, %dma_wait3A_132] : memref<2x200x128xf32, #tpu.memory_space<vmem>> -> memref<1x200x128xf32, #tpu.memory_space<vmem>>
    %dma_wait3A_134 = tpu.memref_squeeze %dma_wait3A_133 : memref<1x200x128xf32, #tpu.memory_space<vmem>> -> memref<200x128xf32, #tpu.memory_space<vmem>>
    %dma_wait3A_135 = arith.constant 0 : i32
    %dma_wait3A_136 = arith.constant 0 : i32
    %dma_wait3A_137 = tpu.memref_slice %arg4[%dma_wait3A_135, %dma_wait3A_136] : memref<819200x128xf32, #tpu.memory_space<hbm>> -> memref<200x128xf32, #tpu.memory_space<hbm>>
    %dma_wait3A_138 = tpu.memref_slice %arg9[%dma_wait3A_130] : memref<2x!tpu.dma_semaphore, #tpu.memory_space<semaphore_mem>> -> memref<1x!tpu.dma_semaphore, #tpu.memory_space<semaphore_mem>>
    %dma_wait3A_139 = tpu.memref_squeeze %dma_wait3A_138 : memref<1x!tpu.dma_semaphore, #tpu.memory_space<semaphore_mem>> -> memref<!tpu.dma_semaphore, #tpu.memory_space<semaphore_mem>>
    %dma_wait3A_140 = arith.constant 0 : i32
    %dma_wait3A_141 = arith.constant 0 : i32
    %dma_wait3A_142 = tpu.memref_slice %arg4[%dma_wait3A_140, %dma_wait3A_141] : memref<819200x128xf32, #tpu.memory_space<hbm>> -> memref<200x128xf32, #tpu.memory_space<hbm>>
    %dma_wait3A_143 = arith.constant 0 : i32
    %dma_wait3A_144 = arith.constant 0 : i32
    %dma_wait3A_145 = tpu.memref_slice %arg6[%dma_wait3A_129, %dma_wait3A_143, %dma_wait3A_144] : memref<2x200x128xf32, #tpu.memory_space<vmem>> -> memref<1x200x128xf32, #tpu.memory_space<vmem>>
    %dma_wait3A_146 = tpu.memref_squeeze %dma_wait3A_145 : memref<1x200x128xf32, #tpu.memory_space<vmem>> -> memref<200x128xf32, #tpu.memory_space<vmem>>
    tpu.wait_dma2 semaphore(%dma_wait3A_139 : memref<!tpu.dma_semaphore, #tpu.memory_space<semaphore_mem>>) src(%dma_wait3A_146 : memref<200x128xf32, #tpu.memory_space<vmem>>) dst(%dma_wait3A_142 : memref<200x128xf32, #tpu.memory_space<hbm>>)
    %dma_wait3A_147 = arith.constant 1 : i32
    %dma_wait3A_148 = arith.constant 1 : i32
    %dma_wait3A_149 = arith.constant 0 : i32
    %dma_wait3A_150 = arith.constant 0 : i32
    %dma_wait3A_151 = tpu.memref_slice %arg6[%dma_wait3A_147, %dma_wait3A_149, %dma_wait3A_150] : memref<2x200x128xf32, #tpu.memory_space<vmem>> -> memref<1x200x128xf32, #tpu.memory_space<vmem>>
    %dma_wait3A_152 = tpu.memref_squeeze %dma_wait3A_151 : memref<1x200x128xf32, #tpu.memory_space<vmem>> -> memref<200x128xf32, #tpu.memory_space<vmem>>
    %dma_wait3A_153 = arith.constant 0 : i32
    %dma_wait3A_154 = arith.constant 0 : i32
    %dma_wait3A_155 = tpu.memref_slice %arg4[%dma_wait3A_153, %dma_wait3A_154] : memref<819200x128xf32, #tpu.memory_space<hbm>> -> memref<200x128xf32, #tpu.memory_space<hbm>>
    %dma_wait3A_156 = tpu.memref_slice %arg9[%dma_wait3A_148] : memref<2x!tpu.dma_semaphore, #tpu.memory_space<semaphore_mem>> -> memref<1x!tpu.dma_semaphore, #tpu.memory_space<semaphore_mem>>
    %dma_wait3A_157 = tpu.memref_squeeze %dma_wait3A_156 : memref<1x!tpu.dma_semaphore, #tpu.memory_space<semaphore_mem>> -> memref<!tpu.dma_semaphore, #tpu.memory_space<semaphore_mem>>
    %dma_wait3A_158 = arith.constant 0 : i32
    %dma_wait3A_159 = arith.constant 0 : i32
    %dma_wait3A_160 = tpu.memref_slice %arg4[%dma_wait3A_158, %dma_wait3A_159] : memref<819200x128xf32, #tpu.memory_space<hbm>> -> memref<200x128xf32, #tpu.memory_space<hbm>>
    %dma_wait3A_161 = arith.constant 0 : i32
    %dma_wait3A_162 = arith.constant 0 : i32
    %dma_wait3A_163 = tpu.memref_slice %arg6[%dma_wait3A_147, %dma_wait3A_161, %dma_wait3A_162] : memref<2x200x128xf32, #tpu.memory_space<vmem>> -> memref<1x200x128xf32, #tpu.memory_space<vmem>>
    %dma_wait3A_164 = tpu.memref_squeeze %dma_wait3A_163 : memref<1x200x128xf32, #tpu.memory_space<vmem>> -> memref<200x128xf32, #tpu.memory_space<vmem>>
    tpu.wait_dma2 semaphore(%dma_wait3A_157 : memref<!tpu.dma_semaphore, #tpu.memory_space<semaphore_mem>>) src(%dma_wait3A_164 : memref<200x128xf32, #tpu.memory_space<vmem>>) dst(%dma_wait3A_160 : memref<200x128xf32, #tpu.memory_space<hbm>>)
    return
  }
}

</mosaic_0001>

<sc_bundles>
// kernel: kernel.3.cloned.1.call-start
scs
__scs_entry_jumppad:
0x0: {  	(pc) =	sbr.rel $0x88, $3  }
0x1: {  	(tag) =	ssettag $0x0;
	lr =	simm.s32 $0x1  }
0x2: {  	[smem:$0x3F9F] =	sst lr;
	_ =	strace $0xD0000000  }
0x3: {  	_ = 	snop  }
0x4: {  	_ = 	snop  }
0x5: {  	_ = 	snop  }
0x6: {  	_ = 	snop  }
0x7: {  	_ = 	snop  }
__scs_overlays_trampoline_lowered:
0x8: {  	[smem:$0x3FAE] =	sst s0  }
0x9: {  	[smem:$0x3FAF] =	sst s1  }
0xa: {  	[smem:$0x3FB0] =	sst s2  }
0xb: {  	[smem:$0x3FB1] =	sst s3  }
0xc: {  	[smem:$0x3FB2] =	sst s4  }
0xd: {  	[smem:$0x3FB3] =	sst s5  }
0xe: {  	[smem:$0x3FB4] =	sst s6  }
0xf: {  	[smem:$0x3FB5] =	sst s7  }
0x10: {  	[smem:$0x3FB6] =	sst s8  }
0x11: {  	[smem:$0x3FB7] =	sst s9;
	s0 =	simm.s32 @!p0 $0x0  }
0x12: {  	s1 =	sld [smem:$0x3F9D];
	s0 =	simm.s32 @p0 $0x1  }
0x13: {  	[smem:$0x3FB8] =	sst s0;
	s0 =	simm.s32 @!p1 $0x0  }
0x14: {  	s2 =	sld [smem:$0x3F9C];
	s0 =	simm.s32 @p1 $0x1  }
0x15: {  	[smem:$0x3FB9] =	sst s0;
	s0 =	simm.s32 @!p2 $0x0  }
0x16: {  	s3 =	sld [smem:$0x3FDB];
	s0 =	simm.s32 @p2 $0x1  }
0x17: {  	s4 =	simm.s32 $0x1BF5;
	[smem:$0x3FBB] =	sst s0  }
0x18: {  	s0 =	sld [smem:$0x3F9E];
	_ =	swait.ge [sflag:s4], $0x0  }
0x19: {  	s7 =	sld [smem:$0x3F9F]  }
0x1a: {  	s8 =	sadd.s32 $0xFFFFE003, lr  }
0x1b: {  	s9 =	sadd.s32 $0xFFFFFEF7, lr;
	s5 =	simm.s32 $0xFFFFFFFF;
	p2 =	slt.u32 s8, $0xFFFFF086  }
0x1c: {  	p1 =	slt.u32 s9, $0xF7A;
	s5 =	simm.s32 @!p2 $0x0  }
0x1d: {  	s5 =	simm.s32 @p1 $0x1;
	p0 =	seq.s32 s7, s2  }
0x1e: {  	s7 =	smul.u32 @!p0 $0xF7A, s2;
	p2 =	seq.s32 @!p0 s5, $0x0  }
0x1f: {  	s9 =	smul.u32 $0xF7A, s1;
	s8 =	simm.s32 @!p0 $0x1BF5;
	p2 =	por !p2, p0  }
0x20: {  	[sflag:s8] =	ssyncset.s32 @!p0 $0xFFFFF086;
	s6 =	sadd.s32 @!p0 s3, s7;
	s7 =	simm.s32 @!p0 $0x108  }
0x21: {  	s3 =	sadd.s32 s3, s9;
	s6 =	sadd.s32 @!p0 $0x88, s6;
	s7 =	simm.s32 @p2 $0x1082  }
0x22: {  	[simem:s7], [sflag:s8] =	dma.local @!p0 [hbm:s6], $0xF7A  }
0x23: {  	s9 =	sor.u32 $0xD0000000, s2;
	s6 =	simm.s32 $0x108;
	_ =	swait.ge @!p0 [sflag:s8], $0x0  }
0x24: {  	s3 =	sadd.s32 $0x88, s3;
	s6 =	simm.s32 @!p1 $0x1082;
	[sflag:s4] =	ssyncset.s32 $0xFFFFF086  }
0x25: {  	[simem:s6], [sflag:s4] =	dma.local [hbm:s3], $0xF7A  }
0x26: {  	[smem:$0x3F9F] =	sst s1;
	(tag) =	ssettag s2;
	_ =	strace s9  }
0x27: {  	s1 =	sld [smem:$0x3FAF]  }
0x28: {  	s2 =	sld [smem:$0x3FB0]  }
0x29: {  	s4 =	sld [smem:$0x3FB2]  }
0x2a: {  	p0 =	seq.s32 s5, $0x0;
	s5 =	sld [smem:$0x3FB3]  }
0x2b: {  	s6 =	sld [smem:$0x3FB4]  }
0x2c: {  	s7 =	sld [smem:$0x3FB5]  }
0x2d: {  	s3 =	simm.s32 $0x108;
	s8 =	sld [smem:$0x3FB6]  }
0x2e: {  	s3 =	simm.s32 @!p0 $0x1082;
	s9 =	sld [smem:$0x3FB7]  }
0x2f: {  	lr =	sadd.s32 s0, s3;
	s0 =	sld [smem:$0x3FAE]  }
0x30: {  	s3 =	sld [smem:$0x3FB1]  }
0x31: {  	[smem:$0x3FBA] =	sst s10  }
0x32: {  	s10 =	sld [smem:$0x3FB8];
	_ =	sdelay $0x3  }
0x33: {  	p0 =	seq.s32 s10, $0x1;
	s10 =	sld [smem:$0x3FBA];
	_ =	sdelay $0x3  }
0x34: {  	[smem:$0x3FBA] =	sst s10  }
0x35: {  	s10 =	sld [smem:$0x3FB9];
	_ =	sdelay $0x3  }
0x36: {  	p1 =	seq.s32 s10, $0x1;
	s10 =	sld [smem:$0x3FBA];
	_ =	sdelay $0x3  }
0x37: {  	[smem:$0x3FBA] =	sst s10  }
0x38: {  	s10 =	sld [smem:$0x3FBB]  }
0x39: {  	_ = 	snop;
	(pc) =	sbr.ind lr, $3  }
0x3a: {  	_ = 	snop  }
0x3b: {  	_ = 	snop  }
0x3c: {  	p2 =	seq.s32 s10, $0x1;
	s10 =	sld [smem:$0x3FBA]  }
0x3d: {  	_ =	shalt  }
0x3e: {  	_ =	shalt  }
0x3f: {  	_ =	shalt  }
0x40: {  	_ =	shalt  }
0x41: {  	_ =	shalt  }
0x42: {  	_ =	shalt  }
0x43: {  	_ =	shalt  }
0x44: {  	_ =	shalt  }
0x45: {  	_ =	shalt  }
0x46: {  	_ =	shalt  }
0x47: {  	_ =	shalt  }
0x48: {  	_ =	shalt  }
0x49: {  	_ =	shalt  }
0x4a: {  	_ =	shalt  }
0x4b: {  	_ =	shalt  }
0x4c: {  	_ =	shalt  }
0x4d: {  	_ =	shalt  }
0x4e: {  	_ =	shalt  }
0x4f: {  	_ =	shalt  }
0x50: {  	_ =	shalt  }
0x51: {  	_ =	shalt  }
0x52: {  	_ =	shalt  }
0x53: {  	_ =	shalt  }
0x54: {  	_ =	shalt  }
0x55: {  	_ =	shalt  }
0x56: {  	_ =	shalt  }
0x57: {  	_ =	shalt  }
0x58: {  	_ =	shalt  }
0x59: {  	_ =	shalt  }
0x5a: {  	_ =	shalt  }
0x5b: {  	_ =	shalt  }
0x5c: {  	_ =	shalt  }
0x5d: {  	_ =	shalt  }
0x5e: {  	_ =	shalt  }
0x5f: {  	_ =	shalt  }
0x60: {  	_ =	shalt  }
0x61: {  	_ =	shalt  }
0x62: {  	_ =	shalt  }
0x63: {  	_ =	shalt  }
0x64: {  	_ =	shalt  }
0x65: {  	_ =	shalt  }
0x66: {  	_ =	shalt  }
0x67: {  	_ =	shalt  }
0x68: {  	_ =	shalt  }
0x69: {  	_ =	shalt  }
0x6a: {  	_ =	shalt  }
0x6b: {  	_ =	shalt  }
0x6c: {  	_ =	shalt  }
0x6d: {  	_ =	shalt  }
0x6e: {  	_ =	shalt  }
0x6f: {  	_ =	shalt  }
0x70: {  	_ =	shalt  }
0x71: {  	_ =	shalt  }
0x72: {  	_ =	shalt  }
0x73: {  	_ =	shalt  }
0x74: {  	_ =	shalt  }
0x75: {  	_ =	shalt  }
0x76: {  	_ =	shalt  }
0x77: {  	_ =	shalt  }
0x78: {  	_ =	shalt  }
0x79: {  	_ =	shalt  }
0x7a: {  	_ =	shalt  }
0x7b: {  	_ =	shalt  }
0x7c: {  	_ =	shalt  }
0x7d: {  	_ =	shalt  }
0x7e: {  	_ =	shalt  }
0x7f: {  	_ =	shalt  }
0x80: {  	_ =	shalt  }
0x81: {  	_ =	shalt  }
0x82: {  	_ =	shalt  }
0x83: {  	_ =	shalt  }
0x84: {  	_ =	shalt  }
0x85: {  	_ =	shalt  }
0x86: {  	_ =	shalt  }
0x87: {  	_ =	shalt  }
.Lfunc_end0:
.L_simem_size_0:
called_computation_lowered:
.L_overlay_start_0:
0x88: {  	s2 =	sld [smem:$0x3FD9]  }
0x89: {  	s3 =	sld [smem:$0x3FFE];
	_ =	sdelay $0x1  }
0x8a: {  	s1 =	srdreg.scid  }
0x8b: {  	s0 =	sand.u32 $0x1, s1  }
0x8c: {  	s17 =	sshll.u32 s0, $0xA;
	s2 =	sadd.s32 s3, s2  }
0x8d: {  	s2 =	sadd.s32 s2, s17  }
0x8e: {  	[smem:$0x3FC6] =	sst s2  }
0x8f: {  	_ = 	snop  }
0x90: {  	s2 =	sld [smem:$0x3FC8]  }
0x91: {  	s18 =	sld [smem:$0x3FD0];
	(tm) =	ssettm $0x1  }
0x92: {  	s4 =	sld [smem:$0x3FFB];
	_ =	sdelay $0x3  }
0x93: {  	_ =	strace s4  }
0x94: {  	s4 =	sld [smem:$0x3FFC];
	_ =	sdelay $0x3  }
0x95: {  	_ =	strace s4  }
0x96: {  	s4 =	sld [smem:$0x3FFD];
	_ =	sdelay $0x3  }
0x97: {  	_ =	strace s4  }
0x98: {  	_ =	strace $0x8FFFFFFF  }
0x99: {  	s19 =	sld [smem:$0x3FDB];
	_ =	sdelay $0x1  }
0x9a: {  	s5 =	simm.s32 $_scs_section_size  }
0x9b: {  	s6 =	simm.s32 $_size__tile_overlayer_lowered;
	s7 =	simm.s32 $_tile_overlayer_lowered  }
0x9c: {  	s22 =	simm.s32 $0x1BFF;
	s21 =	sshll.u32 s7, $0x1;
	s4 =	sadd.s32 s5, s19  }
0x9d: {  	s8 =	simm.s32 $0x0;
	s20 =	sshll.u32 s6, $0x1;
	s6 =	sadd.s32 s21, s4  }
0x9e: {  	[timem:s8], [sflag:s22] =	dma.local [hbm:s6], s20  }
0x9f: {  	_ =	swait.ge [sflag:s22], s20  }
0xa0: {  	s5 =	ssub.s32 $0x0, s20;
	[sflag:s22] =	ssyncset.done $0x0  }
0xa1: {  	[sflag:s22] =	ssyncadd.s32 s5;
	_ =	sdelay $0x1  }
0xa2: {  	s23 =	simm.s32 $0x1B8B  }
0xa3: {  	_ =	swait.ge [sflag:s23], $0x1  }
0xa4: {  	[sflag:s23] =	ssyncset.done $0x0  }
0xa5: {  	s25 =	simm.s32 $0x1B8E;
	s24 =	sld [smem:$0x3FFE];
	[sflag:s23] =	ssyncadd.s32 $0xFFFFFFFF  }
0xa6: {  	s26 =	simm.s32 $execute0_lowered;
	[smem:$0x3FD2] =	sst s25  }
0xa7: {  	s6 =	sshll.u32 s26, $0x1;
	_ =	strace $0x80000046;
	[dreg:$0x1] =	wrdreg $0xFFFFFFFF  }
0xa8: {  	s28 =	simm.s32 $_size_execute0_lowered;
	s4 =	sadd.s32 s4, s6;
	[dreg:$0x0] =	wrdreg $0x0  }
0xa9: {  	s6 =	sshll.u32 s28, $0x1;
	[dreg:$0x2] =	wrdreg s4  }
0xaa: {  	[dreg:$0x3] =	wrdreg s6  }
0xab: {  	[dreg:$0x4] =	wrdreg $0xC0  }
0xac: {  	_ =	task [dreg:s8], $0x5FFFF  }
0xad: {  	[dreg:$0x1] =	wrdreg $0xFFFFFFFF  }
0xae: {  	[dreg:$0x0] =	wrdreg $0x60  }
0xaf: {  	[dreg:$0x2] =	wrdreg s2  }
0xb0: {  	[dreg:$0x3] =	wrdreg s24  }
0xb1: {  	[dreg:$0x4] =	wrdreg s18  }
0xb2: {  	[dreg:$0x5] =	wrdreg $0xCB800  }
0xb3: {  	[dreg:$0x6] =	wrdreg $0x9  }
0xb4: {  	_ =	task.clear_ibuf [dreg:s8], $0x7FFFF;
	_ =	strace $0x90000046  }
0xb5: {  	s29 =	simm.s32 $0x9;
	_ =	strace $0x80000048  }
0xb6: {  	_ =	swait.ge [sflag:s29], $0x1  }
0xb7: {  	[sflag:s29] =	ssyncadd.s32 $0xFFFFFFFF  }
0xb8: {  	_ =	strace $0x90000048  }
0xb9: {  	_ =	sfence  }
0xba: {  	s30 =	sld [smem:$0x0];
	_ =	sdelay $0x2  }
0xbb: {  	s31 =	sshll.u32 s1, $0xD;
	s1 =	sshrl.u32 s1, $0x2  }
0xbc: {  	s3 =	sand.u32 $0x4000, s31;
	s1 =	sadd.s32 s1, s30  }
0xbd: {  	s0 =	sor.u32 s3, s0;
	s1 =	sshll.u32 s1, $0x11  }
0xbe: {  	s0 =	sor.u32 s1, s0  }
0xbf: {  	s0 =	sadd.s32 $0x8F2B, s0  }
0xc0: {  	[sflag:s0] =	ssyncadd.remote.s32 $0x1  }
0xc1: {  	_ =	sfence.sel $0xFFFF  }
0xc2: {  	[dreg:$0x0] =	wrdreg $0xFFFFFFFF;
	(pc) =	sbr.abs _section_cstart, $3  }
0xc3: {  	[dreg:$0x1] =	wrdreg $0xFFFFFFFF  }
0xc4: {  	_ =	task.clear_ibuf [dreg:s8], $0x2FFFF;
	_ =	strace $0x9FFFFFFF  }
0xc5: {  	(tm) =	ssettm $0x7FFFFFFF  }
tec
execute0_lowered:
.L_overlay_start_1:
0x0: {  	(tag) =	ssettag $0x1  }
0x1: {  	s0 =	rddreg [dreg:$0x0]  }
0x2: {  	s4 =	rddreg [dreg:$0x1]  }
0x3: {  	s14 =	rddreg [dreg:$0x2]  }
0x4: {  	s2 =	rddreg [dreg:$0x3];
	s5 =	srdreg.scid  }
0x5: {  	s3 =	simm.s32 $0x0;
	s1 =	stileid.u32;
	s13 =	sand.u32 $0x1, s5  }
0x6: {  	[smem:$0x7FF] =	sst s3;
	s6 =	sshll.u32 s1, $0x1;
	s17 =	sadd.s32 $0x400, s4  }
0x7: {  	s9 =	sshll.u32 s1, $0x9;
	s18 =	sshll.u32 s1, $0xD;
	s25 =	smul.u32 $0xC800, s1  }
0x8: {  	s19 =	sshll.u32 s1, $0x10;
	s29 =	smul.u32 $0xC8000, s1;
	s5 =	ssub.s32 $0x2, s13  }
0x9: {  	_ =	strace $0x80000047;
	s10 =	sor.u32 s13, s6;
	s4 =	sadd.s32 s0, s18  }
0xa: {  	s20 =	sor.u32 $0x80, s9;
	s11 =	sor.u32 $0x100, s9;
	s16 =	sor.u32 $0x180, s9  }
0xb: {  	s7 =	sshrl.u32 s5, $0x1;
	s12 =	smul.u32 $0x6400, s10;
	s21 =	sshll.u32 s20, $0x4  }
0xc: {  	s8 =	sshll.u32 s20, $0x7;
	s22 =	sshll.u32 s11, $0x4;
	s11 =	sshll.u32 s11, $0x7  }
0xd: {  	s23 =	sshll.u32 s16, $0x4;
	s18 =	smul.u32 $0x320000, s10;
	s24 =	sshll.u32 s16, $0x7  }
0xe: {  	s20 =	smul.u32 $0x64000, s13;
	s15 =	ssub.s32 s5, s7;
	s5 =	sadd.s32 s19, s2  }
0xf: {  	s6 =	sadd.s32 s0, s21;
	s7 =	sadd.s32 s8, s2;
	s8 =	sadd.s32 s0, s22  }
0x10: {  	s9 =	sadd.s32 s11, s2;
	s10 =	sadd.s32 s0, s23;
	s11 =	sadd.s32 s24, s2  }
0x11: {  	s19 =	smul.u32 $0x6400, s13;
	s21 =	simm.s32 $0x6780;
	s22 =	simm.s32 $0x1  }
0x12: {  	s23 =	simm.s32 $0x2;
	s24 =	simm.s32 $0x3;
	s26 =	sshrl.u32 s12, $0x3  }
0x13: {  	s28 =	sshrl.u32 s18, $0x3;
	s18 =	sadd.s32 s29, s14;
	s15 =	smax.u32 s15, $0x1  }
0x14: {  	s12 =	sadd.s32 s17, s26;
	s0 =	sadd.s32 s14, s28;
	s16 =	sadd.s32 s19, s25  }
0x15: {  	s30 =	sadd.s32 s20, s18;
	s18 =	simm.s32 $0x380;
	s19 =	simm.s32 $0x5  }
0x16: {  	s20 =	simm.s32 $0xC8;
	s25 =	simm.s32 $0x4;
	s16 =	sor.u32 $0x190, s16  }
0x17: {  	s26 =	simm.s32 $0x0;
	s13 =	sadd.s32 $0x62700, s0;
	s31 =	sshrl.u32 s16, $0x3  }
0x18: {  	s14 =	sadd.s32 $0x63380, s0;
	s16 =	sadd.s32 $0xC80, s30;
	s17 =	sadd.s32 s31, s17  }
.LBB2_1:
0x19: {  	[tilespmem:s18], [sflag:$0x5] =	stream.linear.gather [hbm4b:s4+s3], $0x4000, $0x38;
	[tilespmem:$0x1CB80] =	vst v63  }
0x1a: {  	_ =	swait.ge [sflag:s19], $0x4000  }
0x1b: {  	[sflag:s19] =	ssyncset.done $0x0  }
0x1c: {  	[sflag:s19] =	ssyncadd.s32 $0xFFFFC000  }
0x1d: {  	[spmem:s5] =	stream.linear.scatter [tilespmem:s18], [sflag:$0x5], $0x4000, $0x38;
	[tilespmem:$0x1CB80] =	vst v63  }
0x1e: {  	_ =	swait.ge [sflag:s19], $0x4000  }
0x1f: {  	[sflag:s19] =	ssyncset.done $0x0  }
0x20: {  	[sflag:s19] =	ssyncadd.s32 $0xFFFFC000  }
0x21: {  	[tilespmem:s18], [sflag:$0x5] =	stream.linear.gather [hbm4b:s6+s3], $0x4000, $0x38;
	[tilespmem:$0x1CB80] =	vst v63  }
0x22: {  	_ =	swait.ge [sflag:s19], $0x4000  }
0x23: {  	[sflag:s19] =	ssyncset.done $0x0  }
0x24: {  	[sflag:s19] =	ssyncadd.s32 $0xFFFFC000  }
0x25: {  	[spmem:s7] =	stream.linear.scatter [tilespmem:s18], [sflag:$0x5], $0x4000, $0x38;
	[tilespmem:$0x1CB80] =	vst v63  }
0x26: {  	_ =	swait.ge [sflag:s19], $0x4000  }
0x27: {  	[sflag:s19] =	ssyncset.done $0x0  }
0x28: {  	[sflag:s19] =	ssyncadd.s32 $0xFFFFC000  }
0x29: {  	[tilespmem:s18], [sflag:$0x5] =	stream.linear.gather [hbm4b:s8+s3], $0x4000, $0x38;
	[tilespmem:$0x1CB80] =	vst v63  }
0x2a: {  	_ =	swait.ge [sflag:s19], $0x4000  }
0x2b: {  	[sflag:s19] =	ssyncset.done $0x0  }
0x2c: {  	[sflag:s19] =	ssyncadd.s32 $0xFFFFC000  }
0x2d: {  	[spmem:s9] =	stream.linear.scatter [tilespmem:s18], [sflag:$0x5], $0x4000, $0x38;
	[tilespmem:$0x1CB80] =	vst v63  }
0x2e: {  	_ =	swait.ge [sflag:s19], $0x4000  }
0x2f: {  	[sflag:s19] =	ssyncset.done $0x0  }
0x30: {  	[sflag:s19] =	ssyncadd.s32 $0xFFFFC000  }
0x31: {  	[tilespmem:s18], [sflag:$0x5] =	stream.linear.gather [hbm4b:s10+s3], $0x4000, $0x38;
	[tilespmem:$0x1CB80] =	vst v63  }
0x32: {  	_ =	swait.ge [sflag:s19], $0x4000  }
0x33: {  	[sflag:s19] =	ssyncset.done $0x0  }
0x34: {  	[sflag:s19] =	ssyncadd.s32 $0xFFFFC000  }
0x35: {  	[spmem:s11] =	stream.linear.scatter [tilespmem:s18], [sflag:$0x5], $0x4000, $0x38;
	[tilespmem:$0x1CB80] =	vst v63  }
0x36: {  	_ =	swait.ge [sflag:s19], $0x4000  }
0x37: {  	[sflag:s19] =	ssyncset.done $0x0  }
0x38: {  	[sflag:s19] =	ssyncadd.s32 $0xFFFFC000  }
0x39: {  	[tilespmem:s3], [sflag:$0x5] =	stream.linear.gather [hbm4b:s12+s3], $0x190, $0x38;
	[tilespmem:$0x1CB80] =	vst v63  }
0x3a: {  	_ =	swait.ge [sflag:s19], $0x190  }
0x3b: {  	[sflag:s19] =	ssyncset.done $0x0  }
0x3c: {  	[sflag:s19] =	ssyncadd.s32 $0xFFFFFE70  }
0x3d: {  	s0 =	sand.u32 $0x1, s22;
	[bflag:$0x0] =	sbarrier.arrive $0xFFFF  }
0x3e: {  	[tilespmem:s18], [sflag:$0x1] =	stream.indirect.gather [spmem:s2], $0x80, s3, s20, $0xb8;
	[tilespmem:$0x1CB80] =	vst v63  }
0x3f: {  	p0 =	seq.s32 s0, $0x1;
	s0 =	simm.s32 $0x190  }
0x40: {  	[tilespmem:s21], [sflag:$0x2] =	stream.indirect.gather [spmem:s2], $0x80, s20, s20, $0xb8;
	[tilespmem:$0x1CB80] =	vst v63  }
0x41: {  	s0 =	simm.s32 @!p0 $0x0  }
0x42: {  	[tilespmem:s0], [sflag:$0x5] =	stream.linear.gather [hbm4b:s17+s3], $0x190, $0x38;
	[tilespmem:$0x1CB80] =	vst v63  }
0x43: {  	_ =	swait.ge [sflag:s19], $0x190  }
0x44: {  	[sflag:s19] =	ssyncset.done $0x0  }
0x45: {  	[sflag:s19] =	ssyncadd.s32 $0xFFFFFE70  }
0x46: {  	_ =	swait.ge [sflag:s22], $0x6400  }
0x47: {  	[sflag:s22] =	ssyncset.done $0x0  }
0x48: {  	s28 =	sadd.s32 $0xFFFFF380, s16;
	[sflag:s22] =	ssyncadd.s32 $0xFFFF9C00  }
0x49: {  	[hbm4b:s28+s3] =	stream.linear.scatter [tilespmem:s18], [sflag:$0x3], $0x6400, $0x38;
	[tilespmem:$0x1CB80] =	vst v63  }
0x4a: {  	_ =	swait.ge [sflag:s23], $0x6400  }
0x4b: {  	[sflag:s23] =	ssyncset.done $0x0  }
0x4c: {  	[sflag:s23] =	ssyncadd.s32 $0xFFFF9C00  }
0x4d: {  	[hbm4b:s16+s3] =	stream.linear.scatter [tilespmem:s21], [sflag:$0x4], $0x6400, $0x38;
	[tilespmem:$0x1CB80] =	vst v63  }
0x4e: {  	_ =	swait.ge [sflag:s24], $0x6400  }
0x4f: {  	[sflag:s24] =	ssyncset.done $0x0  }
0x50: {  	s31 =	simm.s32 $0x2;
	s30 =	simm.s32 $0x3;
	[sflag:s24] =	ssyncadd.s32 $0xFFFF9C00  }
0x51: {  	[tilespmem:s18], [sflag:$0x1] =	stream.indirect.gather [spmem:s2], $0x80, s0, s20, $0xb8;
	[tilespmem:$0x1CB80] =	vst v63  }
0x52: {  	s29 =	sadd.s32 $0x32, s17;
	s31 =	sand.u32 $0x1, s31;
	_ =	swait.ge [sflag:s25], $0x6400  }
0x53: {  	s28 =	sadd.s32 $0x1900, s16;
	s0 =	sadd.s32 $0xC8, s0;
	[sflag:s25] =	ssyncset.done $0x0  }
.LBB2_2:
0x54: {  	p1 =	seq.s32 s31, $0x1  }
0x55: {  	[sflag:s25] =	ssyncadd.s32 $0xFFFF9C00;
	s31 =	smov.u32 s30;
	s1 =	sadd.s32 $0x1, s30  }
0x56: {  	[tilespmem:s21], [sflag:$0x2] =	stream.indirect.gather [spmem:s2], $0x80, s0, s20, $0xb8;
	[tilespmem:$0x1CB80] =	vst v63  }
0x57: {  	s0 =	simm.s32 $0x190  }
0x58: {  	p0 =	sne.s32 s30, $0x3F;
	s0 =	simm.s32 @!p1 $0x0  }
0x59: {  	[tilespmem:s0], [sflag:$0x5] =	stream.linear.gather [hbm4b:s29+s3], $0x190, $0x38;
	[tilespmem:$0x1CB80] =	vst v63  }
0x5a: {  	_ =	swait.ge [sflag:s19], $0x190  }
0x5b: {  	[sflag:s19] =	ssyncset.done $0x0  }
0x5c: {  	[sflag:s19] =	ssyncadd.s32 $0xFFFFFE70  }
0x5d: {  	_ =	swait.ge [sflag:s22], $0x6400  }
0x5e: {  	[sflag:s22] =	ssyncset.done $0x0  }
0x5f: {  	s30 =	sadd.s32 $0xFFFFF380, s28;
	[sflag:s22] =	ssyncadd.s32 $0xFFFF9C00  }
0x60: {  	[hbm4b:s30+s3] =	stream.linear.scatter [tilespmem:s18], [sflag:$0x3], $0x6400, $0x38;
	[tilespmem:$0x1CB80] =	vst v63  }
0x61: {  	_ =	swait.ge [sflag:s23], $0x6400  }
0x62: {  	[sflag:s23] =	ssyncset.done $0x0  }
0x63: {  	[sflag:s23] =	ssyncadd.s32 $0xFFFF9C00  }
0x64: {  	[hbm4b:s28+s3] =	stream.linear.scatter [tilespmem:s21], [sflag:$0x4], $0x6400, $0x38;
	[tilespmem:$0x1CB80] =	vst v63  }
0x65: {  	_ =	swait.ge [sflag:s24], $0x6400  }
.Ltmp0:
0x66: {  	[sflag:s24] =	ssyncset.done $0x0;
	(pc) =	sbr.rel @p0 .LBB2_2-.Ltmp0, $4  }
0x67: {  	s31 =	sand.u32 $0x1, s31;
	[sflag:s24] =	ssyncadd.s32 $0xFFFF9C00  }
0x68: {  	[tilespmem:s18], [sflag:$0x1] =	stream.indirect.gather [spmem:s2], $0x80, s0, s20, $0xb8;
	[tilespmem:$0x1CB80] =	vst v63  }
0x69: {  	s29 =	sadd.s32 $0x32, s29;
	s28 =	sadd.s32 $0x1900, s28;
	_ =	swait.ge [sflag:s25], $0x6400  }
0x6a: {  	s30 =	smov.u32 s1;
	s0 =	sadd.s32 $0xC8, s0;
	[sflag:s25] =	ssyncset.done $0x0  }
0x6b: {  	[sflag:s25] =	ssyncadd.s32 $0xFFFF9C00  }
0x6c: {  	[tilespmem:s21], [sflag:$0x2] =	stream.indirect.gather [spmem:s2], $0x80, s0, s20, $0xb8;
	[tilespmem:$0x1CB80] =	vst v63  }
0x6d: {  	p0 =	seq.s32 s31, $0x1;
	s0 =	simm.s32 $0x190  }
0x6e: {  	s0 =	simm.s32 @!p0 $0x0  }
0x6f: {  	[tilespmem:s0], [sflag:$0x5] =	stream.linear.gather [hbm4b:s29+s3], $0x190, $0x38;
	[tilespmem:$0x1CB80] =	vst v63  }
0x70: {  	_ =	swait.ge [sflag:s19], $0x190  }
0x71: {  	[sflag:s19] =	ssyncset.done $0x0  }
0x72: {  	[sflag:s19] =	ssyncadd.s32 $0xFFFFFE70  }
0x73: {  	_ =	swait.ge [sflag:s22], $0x6400  }
0x74: {  	[sflag:s22] =	ssyncset.done $0x0  }
0x75: {  	s1 =	sadd.s32 $0xFFFFF380, s28;
	[sflag:s22] =	ssyncadd.s32 $0xFFFF9C00  }
0x76: {  	[hbm4b:s1+s3] =	stream.linear.scatter [tilespmem:s18], [sflag:$0x3], $0x6400, $0x38;
	[tilespmem:$0x1CB80] =	vst v63  }
0x77: {  	_ =	swait.ge [sflag:s23], $0x6400  }
0x78: {  	[sflag:s23] =	ssyncset.done $0x0  }
0x79: {  	[sflag:s23] =	ssyncadd.s32 $0xFFFF9C00  }
0x7a: {  	[hbm4b:s28+s3] =	stream.linear.scatter [tilespmem:s21], [sflag:$0x4], $0x6400, $0x38;
	[tilespmem:$0x1CB80] =	vst v63  }
0x7b: {  	_ =	swait.ge [sflag:s24], $0x6400  }
0x7c: {  	[sflag:s24] =	ssyncset.done $0x0  }
0x7d: {  	[sflag:s24] =	ssyncadd.s32 $0xFFFF9C00  }
0x7e: {  	[tilespmem:s18], [sflag:$0x1] =	stream.indirect.gather [spmem:s2], $0x80, s0, s20, $0xb8;
	[tilespmem:$0x1CB80] =	vst v63  }
0x7f: {  	_ =	swait.ge [sflag:s25], $0x6400  }
0x80: {  	[sflag:s25] =	ssyncset.done $0x0  }
0x81: {  	s0 =	sadd.s32 $0xC8, s0;
	[sflag:s25] =	ssyncadd.s32 $0xFFFF9C00  }
0x82: {  	[tilespmem:s21], [sflag:$0x2] =	stream.indirect.gather [spmem:s2], $0x80, s0, s20, $0xb8;
	[tilespmem:$0x1CB80] =	vst v63  }
0x83: {  	_ =	swait.ge [sflag:s22], $0x6400  }
0x84: {  	[sflag:s22] =	ssyncset.done $0x0  }
0x85: {  	[sflag:s22] =	ssyncadd.s32 $0xFFFF9C00  }
0x86: {  	[hbm4b:s13+s3] =	stream.linear.scatter [tilespmem:s18], [sflag:$0x3], $0x6400, $0x38;
	[tilespmem:$0x1CB80] =	vst v63  }
0x87: {  	_ =	swait.ge [sflag:s23], $0x6400  }
0x88: {  	[sflag:s23] =	ssyncset.done $0x0  }
0x89: {  	s26 =	sadd.s32 $0x1, s26;
	[sflag:s23] =	ssyncadd.s32 $0xFFFF9C00  }
0x8a: {  	[hbm4b:s14+s3] =	stream.linear.scatter [tilespmem:s21], [sflag:$0x4], $0x6400, $0x38;
	[tilespmem:$0x1CB80] =	vst v63  }
0x8b: {  	p0 =	sne.s32 s26, s15;
	_ =	swait.ge [sflag:s24], $0x6400  }
.Ltmp1:
0x8c: {  	[sflag:s24] =	ssyncset.done $0x0;
	(pc) =	sbr.rel @p0 .LBB2_1-.Ltmp1, $4  }
0x8d: {  	[sflag:s24] =	ssyncadd.s32 $0xFFFF9C00  }
0x8e: {  	_ =	swait.ge [sflag:s25], $0x6400  }
0x8f: {  	[sflag:s25] =	ssyncset.done $0x0  }
0x90: {  	[sflag:s25] =	ssyncadd.s32 $0xFFFF9C00  }
0x91: {  	_ =	sfence.sel $0x180000  }
0x92: {  	[bflag:$0x0] =	sbarrier.arrive $0xFFFF  }
0x93: {  	_ =	strace $0x90000047  }
0x94: {  	s0 =	stileid.u32;
	[bflag:$0x2] =	sbarrier.arrive $0xFFFF  }
0x95: {  	p0 =	sne.s32 s0, $0x0;
	s0 =	rddreg [dreg:$0x4]  }
0x96: {  	s0 =	sadd.s32 @!p0 $0x100000, s0  }
0x97: {  	[sflag:s0] =	ssyncadd.tile.s32 @!p0 $0x1;
	_ =	shalt  }
.Lfunc_end2:
_tile_overlayer_lowered:
.L_overlay_start_2:
0x98: {  	(tag) =	ssettag $0x2  }
0x99: {  	s0 =	rddreg [dreg:$0x0];
	s2 =	stileid.u32  }
0x9a: {  	s1 =	rddreg [dreg:$0x1];
	p0 =	sne.s32 s2, $0x0  }
0x9b: {  	s3 =	rddreg [dreg:$0x2];
	[bflag:$0x3] =	sbarrier.arrive $0xFFFF;
	s2 =	simm.s32 @!p0 $0x1C05  }
0x9c: {  	[timem:s3], [sflag:s2] =	dma.local @!p0 [hbm:s0], s1  }
0x9d: {  	s0 =	simm.s32 @!p0 $0x5  }
0x9e: {  	_ =	swait.ge @!p0 [sflag:s0], s1  }
0x9f: {  	s1 =	ssub.s32 @!p0 $0x0, s1;
	[sflag:s0] =	ssyncset.done @!p0 $0x0  }
0xa0: {  	[sflag:s0] =	ssyncadd.s32 @!p0 s1  }
0xa1: {  	[bflag:$0x3] =	sbarrier.arrive $0xFFFF  }
0xa2: {  	_ =	shalt  }

</sc_bundles>
